<compile_context>
chip_gen: v7x
topology: tpu7x:2x2x1
jax: 0.10.2.dev20260603
libtpu: 0.0.44.dev20260713+nightly
codegen_flags: <defaults>
</compile_context>

<pallas_src>
import functools

import jax
import jax.numpy as jnp
import numpy as np
from jax import lax
from jax.experimental import pallas as pl
from jax.experimental.pallas import tpu as pltpu
from jax.experimental.pallas import tpu_sc as plsc

NBINS = 256
NB2 = NBINS * NBINS
H = 512
W = 512
NIMG = 12
NPR = H - 1
MAXSLOTS = 4
CH = 64
BUFROWS = CH + 1

_PI = np.float32(np.pi)
_PI_2 = np.float32(np.pi / 2.0)
_A = np.float32(0.4999447113271096)
_B = np.float32(-0.08295371865075976)
_C = np.float32(0.003785384589305135)


def _bin16(v):
    ts = v * np.float32(NBINS) + np.float32(NBINS - 0.5)
    ti = ts.astype(jnp.int32)
    f = ts - ti.astype(jnp.float32)
    i0 = ti - NBINS
    x = f * _PI - _PI_2
    u = x * x
    h = x * (_A + u * (_B + _C * u))
    w0 = np.float32(0.5) - h
    return i0, w0


def _zero_hist(hist):
    @pl.loop(0, NB2, step=16, unroll=8)
    def _zero(i):
        hist[pl.ds(i, 16)] = jnp.zeros((16,), jnp.float32)


def _segment(x_ref, out_ref, hist, buf, im, start, end, slot):
    img_base = im * (H * W)
    nr = end - start
    nchunks = (nr + CH - 1) // CH

    @pl.loop(0, nchunks)
    def _chunk(k):
        ps = start + k * CH
        npair = jnp.minimum(ps + CH, end) - ps
        ls = jnp.minimum(ps, H - BUFROWS)
        off = ps - ls
        pltpu.sync_copy(x_ref.at[pl.ds(img_base + ls * W, BUFROWS * W)], buf)

        @pl.loop(0, W // 16)
        def _colgroup(cg):
            cb = cg * 16
            v0 = buf[pl.ds(off * W + cb, 16)]
            i0a, w0a = _bin16(v0)
            init = (
                jnp.maximum(i0a, 0) << 8,
                jnp.minimum(i0a + 1, NBINS - 1) << 8,
                w0a,
                np.float32(1.0) - w0a,
            )

            @plsc.parallel_loop(0, CH, unroll=4, carry=init)
            def _pair(i, carry):
                ia0s, ia1s, wa0, wa1 = carry
                valid = jnp.broadcast_to(i < npair, (16,))
                v = buf[pl.ds((off + 1 + i) * W + cb, 16)]
                i0, wb0 = _bin16(v)
                wb1 = np.float32(1.0) - wb0
                ib0 = jnp.maximum(i0, 0)
                ib1 = jnp.minimum(i0 + 1, NBINS - 1)
                plsc.addupdate_scatter(hist, [ia0s + ib0], wa0 * wb0, mask=valid)
                plsc.addupdate_scatter(hist, [ia0s + ib1], wa0 * wb1, mask=valid)
                plsc.addupdate_scatter(hist, [ia1s + ib0], wa1 * wb0, mask=valid)
                plsc.addupdate_scatter(hist, [ia1s + ib1], wa1 * wb1, mask=valid)
                return (ib0 << 8, ib1 << 8, wb0, wb1)

    pltpu.sync_copy(hist, out_ref.at[pl.ds((im * MAXSLOTS + slot) * NB2, NB2)])


def _sc_body(x_ref, out_ref, hist, buf):
    wid = lax.axis_index("s") * 2 + lax.axis_index("c")
    g = wid // 8
    j = wid % 8
    g0 = (j * 1533) // 8
    g1 = ((j + 1) * 1533) // 8
    q0 = g0 // NPR
    r0 = g0 - q0 * NPR
    e0 = jnp.minimum(NPR, g1 - q0 * NPR)
    qe = (g1 - 1) // NPR
    has2 = qe > q0

    _zero_hist(hist)

    @pl.when(jnp.logical_or(j == 0, j == 7))
    def _zero_duty():
        zim = 3 * g + jnp.where(j == 0, 0, 2)
        pltpu.sync_copy(hist, out_ref.at[pl.ds((zim * MAXSLOTS + 3) * NB2, NB2)])

    slot0 = j - (4088 * q0) // 1533
    _segment(x_ref, out_ref, hist, buf, 3 * g + q0, r0, e0, slot0)

    @pl.when(has2)
    def _second():
        _zero_hist(hist)
        slot1 = j - (4088 * qe) // 1533
        _segment(x_ref, out_ref, hist, buf, 3 * g + qe, 0, g1 - qe * NPR, slot1)


_sc_hist = functools.partial(
    pl.kernel,
    out_type=jax.ShapeDtypeStruct((NIMG * MAXSLOTS * NB2,), jnp.float32),
    mesh=plsc.VectorSubcoreMesh(core_axis_name="c", subcore_axis_name="s"),
    compiler_params=pltpu.CompilerParams(needs_layout_passes=False),
    scratch_types=[
        pltpu.VMEM((NB2,), jnp.float32),
        pltpu.VMEM((BUFROWS * W,), jnp.float32),
    ],
)(_sc_body)


def _merge_body(p_ref, o_ref):
    s = p_ref[0, 0:1, :] + p_ref[0, 1:2, :] + p_ref[0, 2:3, :] + p_ref[0, 3:4, :]
    o_ref[0] = s / jnp.max(s)


def kernel(X):
    x_flat = X.reshape(-1)
    partials = _sc_hist(x_flat).reshape(NIMG, MAXSLOTS, NB2)
    out = pl.pallas_call(
        _merge_body,
        grid=(NIMG,),
        in_specs=[pl.BlockSpec((1, MAXSLOTS, NB2), lambda i: (i, 0, 0))],
        out_specs=pl.BlockSpec((1, 1, NB2), lambda i: (i, 0, 0)),
        out_shape=jax.ShapeDtypeStruct((NIMG, 1, NB2), jnp.float32),
    )(partials)
    return out.reshape(4, 3, NBINS, NBINS)

# --- scband reference (transcript-rebuilt; emitter-appended) ---
"""Pipeline reference for scband-co-occur-with-norm-3839700762636 (READ-ONLY COPY).

The authoritative reference and input builder live on the scoring server;
editing this copy changes nothing except your own understanding.
"""

import jax, jax.numpy as jnp
import numpy as np

NBINS = 256


def _bin_coords(v):
    # Raised-cosine kernel soft-binning: centers c_i = (i+0.5)/NBINS, support = one bin width.
    # Each value contributes to its two neighboring bin centers with weights
    # w0 = 0.5*(1+cos(pi*f)), w1 = 1-w0, where f is the fractional offset.
    t = v * NBINS - 0.5
    i0 = jnp.floor(t)
    f = t - i0
    w0 = 0.5 * (1.0 + jnp.cos(jnp.pi * f))
    w1 = 1.0 - w0
    i0c = jnp.clip(i0, 0, NBINS - 1).astype(jnp.int32)
    i1c = jnp.clip(i0 + 1.0, 0, NBINS - 1).astype(jnp.int32)
    return i0c, i1c, w0, w1


def _co_occur_with_norm(X):
    # X: [B, C, H, W] in [0,1)
    B, C, H, W = X.shape
    # img2pairs: vertically adjacent pixel pairs per channel image
    a = X[:, :, :-1, :].reshape(B, C, -1)
    b = X[:, :, 1:, :].reshape(B, C, -1)
    ia0, ia1, wa0, wa1 = _bin_coords(a)
    ib0, ib1, wb0, wb1 = _bin_coords(b)
    bc = (jnp.arange(B * C, dtype=jnp.int32).reshape(B, C, 1)) * (NBINS * NBINS)
    hist = jnp.zeros((B * C * NBINS * NBINS,), dtype=X.dtype)
    for ia, wa in ((ia0, wa0), (ia1, wa1)):
        for ib, wb in ((ib0, wb0), (ib1, wb1)):
            ids = (bc + ia * NBINS + ib).reshape(-1)
            hist = hist.at[ids].add((wa * wb).reshape(-1))
    Cm = hist.reshape(B, C, NBINS, NBINS)
    # v_max = max over last two dims (torch.max(...,2) twice)
    v_max = jnp.max(Cm, axis=(2, 3))
    C_out = Cm.astype(jnp.float32) / v_max[:, :, None, None]
    return C_out


def setup_inputs(seed: int = 0) -> dict:
    key = jax.random.key(seed)
    X = jax.random.uniform(key, (4, 3, 512, 512), dtype=jnp.float32)
    return {"X": X}


def reference(X):
    return _co_occur_with_norm(X)

if __name__ == "__main__":
    import jax
    _d = setup_inputs()
    print(jax.jit(kernel)(*tuple(_d.values())))

</pallas_src>

<mosaic_0001>
#map = affine_map<(d0, d1) -> (0)>
module attributes {stable_mosaic.version = 14 : i64} {
  func.func @_sc_body(%arg0: i32, %arg1: i32, %arg2: memref<3145728xf32, #tpu.memory_space<hbm>>, %arg3: memref<3145728xf32, #tpu.memory_space<hbm>>, %arg4: memref<65536xf32, #tpu.memory_space<vmem>>, %arg5: memref<33280xf32, #tpu.memory_space<vmem>>) attributes {dimension_semantics = [#tpu.dimension_semantics<core_parallel>, #tpu.dimension_semantics<subcore_parallel>], iteration_bounds = array<i64: 2, 16>, scalar_prefetch = 0 : i64, scratch_operands = 2 : i64, tpu.core_type = #tpu.core_type<sc_vector_subcore>, window_params = [{transform_indices = #map}, {transform_indices = #map}]} {
    %mul3A = arith.constant 2 : i32
    %mul3A_0 = arith.muli %arg1, %mul3A : i32
    %add3A = arith.addi %mul3A_0, %arg0 : i32
    %jit3A = arith.constant 8 : i32
    %div3A = arith.divsi %add3A, %jit3A : i32
    %sign3A = arith.constant 0 : i32
    %sign3A_1 = arith.cmpi sgt, %add3A, %sign3A : i32
    %sign3A_2 = arith.extui %sign3A_1 : i1 to i32
    %sign3A_3 = arith.constant 0 : i32
    %sign3A_4 = arith.cmpi slt, %add3A, %sign3A_3 : i32
    %sign3A_5 = arith.extui %sign3A_4 : i1 to i32
    %sign3A_6 = arith.subi %sign3A_2, %sign3A_5 : i32
    %sign3A_7 = arith.constant 0 : i32
    %sign3A_8 = arith.cmpi sgt, %jit3A, %sign3A_7 : i32
    %sign3A_9 = arith.extui %sign3A_8 : i1 to i32
    %sign3A_10 = arith.constant 0 : i32
    %sign3A_11 = arith.cmpi slt, %jit3A, %sign3A_10 : i32
    %sign3A_12 = arith.extui %sign3A_11 : i1 to i32
    %sign3A_13 = arith.subi %sign3A_9, %sign3A_12 : i32
    %ne3A = arith.cmpi ne, %sign3A_6, %sign3A_13 : i32
    %rem3A = arith.remsi %add3A, %jit3A : i32
    %ne3A_14 = arith.constant 0 : i32
    %ne3A_15 = arith.cmpi ne, %rem3A, %ne3A_14 : i32
    %and3A = arith.andi %ne3A, %ne3A_15 : i1
    %sub3A = arith.constant 1 : i32
    %sub3A_16 = arith.subi %div3A, %sub3A : i32
    %select_n3A = arith.select %and3A, %sub3A_16, %div3A : i32
    %jit3A_17 = arith.constant 8 : i32
    %eq3A = arith.constant 0 : i32
    %eq3A_18 = arith.cmpi eq, %jit3A_17, %eq3A : i32
    %jit3A_19 = arith.constant 1 : i32
    %select_n3A_20 = arith.select %eq3A_18, %jit3A_19, %jit3A_17 : i32
    %rem3A_21 = arith.remsi %add3A, %select_n3A_20 : i32
    %ne3A_22 = arith.constant 0 : i32
    %ne3A_23 = arith.cmpi ne, %rem3A_21, %ne3A_22 : i32
    %lt3A = arith.constant 0 : i32
    %lt3A_24 = arith.cmpi slt, %rem3A_21, %lt3A : i32
    %lt3A_25 = arith.constant 0 : i32
    %lt3A_26 = arith.cmpi slt, %select_n3A_20, %lt3A_25 : i32
    %ne3A_27 = arith.xori %lt3A_24, %lt3A_26 : i1
    %and3A_28 = arith.andi %ne3A_27, %ne3A_23 : i1
    %add3A_29 = arith.addi %rem3A_21, %select_n3A_20 : i32
    %select_n3A_30 = arith.select %and3A_28, %add3A_29, %rem3A_21 : i32
    %mul3A_31 = arith.constant 1533 : i32
    %mul3A_32 = arith.muli %select_n3A_30, %mul3A_31 : i32
    %jit3A_33 = arith.constant 8 : i32
    %div3A_34 = arith.divsi %mul3A_32, %jit3A_33 : i32
    %sign3A_35 = arith.constant 0 : i32
    %sign3A_36 = arith.cmpi sgt, %mul3A_32, %sign3A_35 : i32
    %sign3A_37 = arith.extui %sign3A_36 : i1 to i32
    %sign3A_38 = arith.constant 0 : i32
    %sign3A_39 = arith.cmpi slt, %mul3A_32, %sign3A_38 : i32
    %sign3A_40 = arith.extui %sign3A_39 : i1 to i32
    %sign3A_41 = arith.subi %sign3A_37, %sign3A_40 : i32
    %sign3A_42 = arith.constant 0 : i32
    %sign3A_43 = arith.cmpi sgt, %jit3A_33, %sign3A_42 : i32
    %sign3A_44 = arith.extui %sign3A_43 : i1 to i32
    %sign3A_45 = arith.constant 0 : i32
    %sign3A_46 = arith.cmpi slt, %jit3A_33, %sign3A_45 : i32
    %sign3A_47 = arith.extui %sign3A_46 : i1 to i32
    %sign3A_48 = arith.subi %sign3A_44, %sign3A_47 : i32
    %ne3A_49 = arith.cmpi ne, %sign3A_41, %sign3A_48 : i32
    %rem3A_50 = arith.remsi %mul3A_32, %jit3A_33 : i32
    %ne3A_51 = arith.constant 0 : i32
    %ne3A_52 = arith.cmpi ne, %rem3A_50, %ne3A_51 : i32
    %and3A_53 = arith.andi %ne3A_49, %ne3A_52 : i1
    %sub3A_54 = arith.constant 1 : i32
    %sub3A_55 = arith.subi %div3A_34, %sub3A_54 : i32
    %select_n3A_56 = arith.select %and3A_53, %sub3A_55, %div3A_34 : i32
    %add3A_57 = arith.constant 1 : i32
    %add3A_58 = arith.addi %select_n3A_30, %add3A_57 : i32
    %mul3A_59 = arith.constant 1533 : i32
    %mul3A_60 = arith.muli %add3A_58, %mul3A_59 : i32
    %jit3A_61 = arith.constant 8 : i32
    %div3A_62 = arith.divsi %mul3A_60, %jit3A_61 : i32
    %sign3A_63 = arith.constant 0 : i32
    %sign3A_64 = arith.cmpi sgt, %mul3A_60, %sign3A_63 : i32
    %sign3A_65 = arith.extui %sign3A_64 : i1 to i32
    %sign3A_66 = arith.constant 0 : i32
    %sign3A_67 = arith.cmpi slt, %mul3A_60, %sign3A_66 : i32
    %sign3A_68 = arith.extui %sign3A_67 : i1 to i32
    %sign3A_69 = arith.subi %sign3A_65, %sign3A_68 : i32
    %sign3A_70 = arith.constant 0 : i32
    %sign3A_71 = arith.cmpi sgt, %jit3A_61, %sign3A_70 : i32
    %sign3A_72 = arith.extui %sign3A_71 : i1 to i32
    %sign3A_73 = arith.constant 0 : i32
    %sign3A_74 = arith.cmpi slt, %jit3A_61, %sign3A_73 : i32
    %sign3A_75 = arith.extui %sign3A_74 : i1 to i32
    %sign3A_76 = arith.subi %sign3A_72, %sign3A_75 : i32
    %ne3A_77 = arith.cmpi ne, %sign3A_69, %sign3A_76 : i32
    %rem3A_78 = arith.remsi %mul3A_60, %jit3A_61 : i32
    %ne3A_79 = arith.constant 0 : i32
    %ne3A_80 = arith.cmpi ne, %rem3A_78, %ne3A_79 : i32
    %and3A_81 = arith.andi %ne3A_77, %ne3A_80 : i1
    %sub3A_82 = arith.constant 1 : i32
    %sub3A_83 = arith.subi %div3A_62, %sub3A_82 : i32
    %select_n3A_84 = arith.select %and3A_81, %sub3A_83, %div3A_62 : i32
    %jit3A_85 = arith.constant 511 : i32
    %div3A_86 = arith.divsi %select_n3A_56, %jit3A_85 : i32
    %sign3A_87 = arith.constant 0 : i32
    %sign3A_88 = arith.cmpi sgt, %select_n3A_56, %sign3A_87 : i32
    %sign3A_89 = arith.extui %sign3A_88 : i1 to i32
    %sign3A_90 = arith.constant 0 : i32
    %sign3A_91 = arith.cmpi slt, %select_n3A_56, %sign3A_90 : i32
    %sign3A_92 = arith.extui %sign3A_91 : i1 to i32
    %sign3A_93 = arith.subi %sign3A_89, %sign3A_92 : i32
    %sign3A_94 = arith.constant 0 : i32
    %sign3A_95 = arith.cmpi sgt, %jit3A_85, %sign3A_94 : i32
    %sign3A_96 = arith.extui %sign3A_95 : i1 to i32
    %sign3A_97 = arith.constant 0 : i32
    %sign3A_98 = arith.cmpi slt, %jit3A_85, %sign3A_97 : i32
    %sign3A_99 = arith.extui %sign3A_98 : i1 to i32
    %sign3A_100 = arith.subi %sign3A_96, %sign3A_99 : i32
    %ne3A_101 = arith.cmpi ne, %sign3A_93, %sign3A_100 : i32
    %rem3A_102 = arith.remsi %select_n3A_56, %jit3A_85 : i32
    %ne3A_103 = arith.constant 0 : i32
    %ne3A_104 = arith.cmpi ne, %rem3A_102, %ne3A_103 : i32
    %and3A_105 = arith.andi %ne3A_101, %ne3A_104 : i1
    %sub3A_106 = arith.constant 1 : i32
    %sub3A_107 = arith.subi %div3A_86, %sub3A_106 : i32
    %select_n3A_108 = arith.select %and3A_105, %sub3A_107, %div3A_86 : i32
    %mul3A_109 = arith.constant 511 : i32
    %mul3A_110 = arith.muli %select_n3A_108, %mul3A_109 : i32
    %sub3A_111 = arith.subi %select_n3A_56, %mul3A_110 : i32
    %mul3A_112 = arith.constant 511 : i32
    %mul3A_113 = arith.muli %select_n3A_108, %mul3A_112 : i32
    %sub3A_114 = arith.subi %select_n3A_84, %mul3A_113 : i32
    %min3A = arith.constant 511 : i32
    %min3A_115 = arith.minsi %min3A, %sub3A_114 : i32
    %sub3A_116 = arith.constant 1 : i32
    %sub3A_117 = arith.subi %select_n3A_84, %sub3A_116 : i32
    %jit3A_118 = arith.constant 511 : i32
    %div3A_119 = arith.divsi %sub3A_117, %jit3A_118 : i32
    %sign3A_120 = arith.constant 0 : i32
    %sign3A_121 = arith.cmpi sgt, %sub3A_117, %sign3A_120 : i32
    %sign3A_122 = arith.extui %sign3A_121 : i1 to i32
    %sign3A_123 = arith.constant 0 : i32
    %sign3A_124 = arith.cmpi slt, %sub3A_117, %sign3A_123 : i32
    %sign3A_125 = arith.extui %sign3A_124 : i1 to i32
    %sign3A_126 = arith.subi %sign3A_122, %sign3A_125 : i32
    %sign3A_127 = arith.constant 0 : i32
    %sign3A_128 = arith.cmpi sgt, %jit3A_118, %sign3A_127 : i32
    %sign3A_129 = arith.extui %sign3A_128 : i1 to i32
    %sign3A_130 = arith.constant 0 : i32
    %sign3A_131 = arith.cmpi slt, %jit3A_118, %sign3A_130 : i32
    %sign3A_132 = arith.extui %sign3A_131 : i1 to i32
    %sign3A_133 = arith.subi %sign3A_129, %sign3A_132 : i32
    %ne3A_134 = arith.cmpi ne, %sign3A_126, %sign3A_133 : i32
    %rem3A_135 = arith.remsi %sub3A_117, %jit3A_118 : i32
    %ne3A_136 = arith.constant 0 : i32
    %ne3A_137 = arith.cmpi ne, %rem3A_135, %ne3A_136 : i32
    %and3A_138 = arith.andi %ne3A_134, %ne3A_137 : i1
    %sub3A_139 = arith.constant 1 : i32
    %sub3A_140 = arith.subi %div3A_119, %sub3A_139 : i32
    %select_n3A_141 = arith.select %and3A_138, %sub3A_140, %div3A_119 : i32
    %gt3A = arith.cmpi sgt, %select_n3A_141, %select_n3A_108 : i32
    %scan3A = arith.constant 0 : i32
    %scan3A_142 = arith.constant 4096 : i32
    %scan3A_143 = arith.addi %scan3A, %scan3A_142 : i32
    %scan3A_144 = arith.constant 8 : i32
    scf.for %scan3A_238 = %scan3A to %scan3A_143 step %scan3A_144  : i32 {
      %mul3A_239 = arith.constant 16 : i32
      %mul3A_240 = arith.muli %scan3A_238, %mul3A_239 : i32
      %add3A_241 = arith.constant 0 : i32
      %add3A_242 = arith.addi %add3A_241, %mul3A_240 : i32
      %broadcast_in_dim3A = arith.constant 0.000000e+00 : f32
      %broadcast_in_dim3A_243 = vector.broadcast %broadcast_in_dim3A : f32 to vector<16xf32>
      %swap3A = arith.index_cast %add3A_242 : i32 to index
      %swap3A_244 = tpu.vector_load %arg4[%swap3A] {strides = array<i32>} : memref<65536xf32, #tpu.memory_space<vmem>>, vector<16xf32>,
      tpu.vector_store %arg4[%swap3A], %broadcast_in_dim3A_243 {strides = array<i32>} : memref<65536xf32, #tpu.memory_space<vmem>>, vector<16xf32>,
      %scan3A_245 = arith.constant 1 : i32
      %scan3A_246 = arith.addi %scan3A_238, %scan3A_245 : i32
      %mul3A_247 = arith.constant 16 : i32
      %mul3A_248 = arith.muli %scan3A_246, %mul3A_247 : i32
      %add3A_249 = arith.constant 0 : i32
      %add3A_250 = arith.addi %add3A_249, %mul3A_248 : i32
      %broadcast_in_dim3A_251 = arith.constant 0.000000e+00 : f32
      %broadcast_in_dim3A_252 = vector.broadcast %broadcast_in_dim3A_251 : f32 to vector<16xf32>
      %swap3A_253 = arith.index_cast %add3A_250 : i32 to index
      %swap3A_254 = tpu.vector_load %arg4[%swap3A_253] {strides = array<i32>} : memref<65536xf32, #tpu.memory_space<vmem>>, vector<16xf32>,
      tpu.vector_store %arg4[%swap3A_253], %broadcast_in_dim3A_252 {strides = array<i32>} : memref<65536xf32, #tpu.memory_space<vmem>>, vector<16xf32>,
      %scan3A_255 = arith.constant 2 : i32
      %scan3A_256 = arith.addi %scan3A_238, %scan3A_255 : i32
      %mul3A_257 = arith.constant 16 : i32
      %mul3A_258 = arith.muli %scan3A_256, %mul3A_257 : i32
      %add3A_259 = arith.constant 0 : i32
      %add3A_260 = arith.addi %add3A_259, %mul3A_258 : i32
      %broadcast_in_dim3A_261 = arith.constant 0.000000e+00 : f32
      %broadcast_in_dim3A_262 = vector.broadcast %broadcast_in_dim3A_261 : f32 to vector<16xf32>
      %swap3A_263 = arith.index_cast %add3A_260 : i32 to index
      %swap3A_264 = tpu.vector_load %arg4[%swap3A_263] {strides = array<i32>} : memref<65536xf32, #tpu.memory_space<vmem>>, vector<16xf32>,
      tpu.vector_store %arg4[%swap3A_263], %broadcast_in_dim3A_262 {strides = array<i32>} : memref<65536xf32, #tpu.memory_space<vmem>>, vector<16xf32>,
      %scan3A_265 = arith.constant 3 : i32
      %scan3A_266 = arith.addi %scan3A_238, %scan3A_265 : i32
      %mul3A_267 = arith.constant 16 : i32
      %mul3A_268 = arith.muli %scan3A_266, %mul3A_267 : i32
      %add3A_269 = arith.constant 0 : i32
      %add3A_270 = arith.addi %add3A_269, %mul3A_268 : i32
      %broadcast_in_dim3A_271 = arith.constant 0.000000e+00 : f32
      %broadcast_in_dim3A_272 = vector.broadcast %broadcast_in_dim3A_271 : f32 to vector<16xf32>
      %swap3A_273 = arith.index_cast %add3A_270 : i32 to index
      %swap3A_274 = tpu.vector_load %arg4[%swap3A_273] {strides = array<i32>} : memref<65536xf32, #tpu.memory_space<vmem>>, vector<16xf32>,
      tpu.vector_store %arg4[%swap3A_273], %broadcast_in_dim3A_272 {strides = array<i32>} : memref<65536xf32, #tpu.memory_space<vmem>>, vector<16xf32>,
      %scan3A_275 = arith.constant 4 : i32
      %scan3A_276 = arith.addi %scan3A_238, %scan3A_275 : i32
      %mul3A_277 = arith.constant 16 : i32
      %mul3A_278 = arith.muli %scan3A_276, %mul3A_277 : i32
      %add3A_279 = arith.constant 0 : i32
      %add3A_280 = arith.addi %add3A_279, %mul3A_278 : i32
      %broadcast_in_dim3A_281 = arith.constant 0.000000e+00 : f32
      %broadcast_in_dim3A_282 = vector.broadcast %broadcast_in_dim3A_281 : f32 to vector<16xf32>
      %swap3A_283 = arith.index_cast %add3A_280 : i32 to index
      %swap3A_284 = tpu.vector_load %arg4[%swap3A_283] {strides = array<i32>} : memref<65536xf32, #tpu.memory_space<vmem>>, vector<16xf32>,
      tpu.vector_store %arg4[%swap3A_283], %broadcast_in_dim3A_282 {strides = array<i32>} : memref<65536xf32, #tpu.memory_space<vmem>>, vector<16xf32>,
      %scan3A_285 = arith.constant 5 : i32
      %scan3A_286 = arith.addi %scan3A_238, %scan3A_285 : i32
      %mul3A_287 = arith.constant 16 : i32
      %mul3A_288 = arith.muli %scan3A_286, %mul3A_287 : i32
      %add3A_289 = arith.constant 0 : i32
      %add3A_290 = arith.addi %add3A_289, %mul3A_288 : i32
      %broadcast_in_dim3A_291 = arith.constant 0.000000e+00 : f32
      %broadcast_in_dim3A_292 = vector.broadcast %broadcast_in_dim3A_291 : f32 to vector<16xf32>
      %swap3A_293 = arith.index_cast %add3A_290 : i32 to index
      %swap3A_294 = tpu.vector_load %arg4[%swap3A_293] {strides = array<i32>} : memref<65536xf32, #tpu.memory_space<vmem>>, vector<16xf32>,
      tpu.vector_store %arg4[%swap3A_293], %broadcast_in_dim3A_292 {strides = array<i32>} : memref<65536xf32, #tpu.memory_space<vmem>>, vector<16xf32>,
      %scan3A_295 = arith.constant 6 : i32
      %scan3A_296 = arith.addi %scan3A_238, %scan3A_295 : i32
      %mul3A_297 = arith.constant 16 : i32
      %mul3A_298 = arith.muli %scan3A_296, %mul3A_297 : i32
      %add3A_299 = arith.constant 0 : i32
      %add3A_300 = arith.addi %add3A_299, %mul3A_298 : i32
      %broadcast_in_dim3A_301 = arith.constant 0.000000e+00 : f32
      %broadcast_in_dim3A_302 = vector.broadcast %broadcast_in_dim3A_301 : f32 to vector<16xf32>
      %swap3A_303 = arith.index_cast %add3A_300 : i32 to index
      %swap3A_304 = tpu.vector_load %arg4[%swap3A_303] {strides = array<i32>} : memref<65536xf32, #tpu.memory_space<vmem>>, vector<16xf32>,
      tpu.vector_store %arg4[%swap3A_303], %broadcast_in_dim3A_302 {strides = array<i32>} : memref<65536xf32, #tpu.memory_space<vmem>>, vector<16xf32>,
      %scan3A_305 = arith.constant 7 : i32
      %scan3A_306 = arith.addi %scan3A_238, %scan3A_305 : i32
      %mul3A_307 = arith.constant 16 : i32
      %mul3A_308 = arith.muli %scan3A_306, %mul3A_307 : i32
      %add3A_309 = arith.constant 0 : i32
      %add3A_310 = arith.addi %add3A_309, %mul3A_308 : i32
      %broadcast_in_dim3A_311 = arith.constant 0.000000e+00 : f32
      %broadcast_in_dim3A_312 = vector.broadcast %broadcast_in_dim3A_311 : f32 to vector<16xf32>
      %swap3A_313 = arith.index_cast %add3A_310 : i32 to index
      %swap3A_314 = tpu.vector_load %arg4[%swap3A_313] {strides = array<i32>} : memref<65536xf32, #tpu.memory_space<vmem>>, vector<16xf32>,
      tpu.vector_store %arg4[%swap3A_313], %broadcast_in_dim3A_312 {strides = array<i32>} : memref<65536xf32, #tpu.memory_space<vmem>>, vector<16xf32>,
    }
    %scan3A_145 = arith.constant 4096 : i32
    %eq3A_146 = arith.constant 0 : i32
    %eq3A_147 = arith.cmpi eq, %select_n3A_30, %eq3A_146 : i32
    %eq3A_148 = arith.constant 7 : i32
    %eq3A_149 = arith.cmpi eq, %select_n3A_30, %eq3A_148 : i32
    %or3A = arith.ori %eq3A_147, %eq3A_149 : i1
    %convert_element_type3A = arith.extui %or3A : i1 to i32
    %cond3A = arith.constant 0 : i32
    %cond3A_150 = arith.cmpi ne, %convert_element_type3A, %cond3A : i32
    scf.if %cond3A_150 {
      %mul3A_238 = arith.constant 3 : i32
      %mul3A_239 = arith.muli %mul3A_238, %select_n3A : i32
      %eq3A_240 = arith.constant 0 : i32
      %eq3A_241 = arith.cmpi eq, %select_n3A_30, %eq3A_240 : i32
      %jit3A_242 = arith.constant 0 : i32
      %jit3A_243 = arith.constant 2 : i32
      %select_n3A_244 = arith.select %eq3A_241, %jit3A_242, %jit3A_243 : i32
      %add3A_245 = arith.addi %mul3A_239, %select_n3A_244 : i32
      %mul3A_246 = arith.constant 4 : i32
      %mul3A_247 = arith.muli %add3A_245, %mul3A_246 : i32
      %add3A_248 = arith.constant 3 : i32
      %add3A_249 = arith.addi %mul3A_247, %add3A_248 : i32
      %mul3A_250 = arith.constant 65536 : i32
      %mul3A_251 = arith.muli %add3A_249, %mul3A_250 : i32
      "tpu.region"() ({
        %run_scoped3A = tpu.sem_alloc : memref<!tpu.dma_semaphore, #tpu.memory_space<semaphore_mem>>
        %dma_start3A = tpu.memref_slice %arg3[%mul3A_251] : memref<3145728xf32, #tpu.memory_space<hbm>> -> memref<65536xf32, #tpu.memory_space<hbm>>
        %dma_start3A_252 = tpu.memref_slice %arg3[%mul3A_251] : memref<3145728xf32, #tpu.memory_space<hbm>> -> memref<65536xf32, #tpu.memory_space<hbm>>
        tpu.enqueue_dma source(%arg4 : memref<65536xf32, #tpu.memory_space<vmem>>) target(%dma_start3A_252 : memref<65536xf32, #tpu.memory_space<hbm>>) target_semaphore(%run_scoped3A : memref<!tpu.dma_semaphore, #tpu.memory_space<semaphore_mem>>)
        %dma_wait3A = tpu.memref_slice %arg3[%mul3A_251] : memref<3145728xf32, #tpu.memory_space<hbm>> -> memref<65536xf32, #tpu.memory_space<hbm>>
        %dma_wait3A_253 = tpu.memref_slice %arg3[%mul3A_251] : memref<3145728xf32, #tpu.memory_space<hbm>> -> memref<65536xf32, #tpu.memory_space<hbm>>
        tpu.wait_dma2 semaphore(%run_scoped3A : memref<!tpu.dma_semaphore, #tpu.memory_space<semaphore_mem>>) src(%arg4 : memref<65536xf32, #tpu.memory_space<vmem>>) dst(%dma_wait3A_253 : memref<65536xf32, #tpu.memory_space<hbm>>)
        tpu.yield
      }) : () -> ()
    } else {
    }
    %mul3A_151 = arith.constant 4088 : i32
    %mul3A_152 = arith.muli %mul3A_151, %select_n3A_108 : i32
    %jit3A_153 = arith.constant 1533 : i32
    %div3A_154 = arith.divsi %mul3A_152, %jit3A_153 : i32
    %sign3A_155 = arith.constant 0 : i32
    %sign3A_156 = arith.cmpi sgt, %mul3A_152, %sign3A_155 : i32
    %sign3A_157 = arith.extui %sign3A_156 : i1 to i32
    %sign3A_158 = arith.constant 0 : i32
    %sign3A_159 = arith.cmpi slt, %mul3A_152, %sign3A_158 : i32
    %sign3A_160 = arith.extui %sign3A_159 : i1 to i32
    %sign3A_161 = arith.subi %sign3A_157, %sign3A_160 : i32
    %sign3A_162 = arith.constant 0 : i32
    %sign3A_163 = arith.cmpi sgt, %jit3A_153, %sign3A_162 : i32
    %sign3A_164 = arith.extui %sign3A_163 : i1 to i32
    %sign3A_165 = arith.constant 0 : i32
    %sign3A_166 = arith.cmpi slt, %jit3A_153, %sign3A_165 : i32
    %sign3A_167 = arith.extui %sign3A_166 : i1 to i32
    %sign3A_168 = arith.subi %sign3A_164, %sign3A_167 : i32
    %ne3A_169 = arith.cmpi ne, %sign3A_161, %sign3A_168 : i32
    %rem3A_170 = arith.remsi %mul3A_152, %jit3A_153 : i32
    %ne3A_171 = arith.constant 0 : i32
    %ne3A_172 = arith.cmpi ne, %rem3A_170, %ne3A_171 : i32
    %and3A_173 = arith.andi %ne3A_169, %ne3A_172 : i1
    %sub3A_174 = arith.constant 1 : i32
    %sub3A_175 = arith.subi %div3A_154, %sub3A_174 : i32
    %select_n3A_176 = arith.select %and3A_173, %sub3A_175, %div3A_154 : i32
    %sub3A_177 = arith.subi %select_n3A_30, %select_n3A_176 : i32
    %mul3A_178 = arith.constant 3 : i32
    %mul3A_179 = arith.muli %mul3A_178, %select_n3A : i32
    %add3A_180 = arith.addi %mul3A_179, %select_n3A_108 : i32
    %mul3A_181 = arith.constant 262144 : i32
    %mul3A_182 = arith.muli %add3A_180, %mul3A_181 : i32
    %sub3A_183 = arith.subi %min3A_115, %sub3A_111 : i32
    %add3A_184 = arith.constant 64 : i32
    %add3A_185 = arith.addi %sub3A_183, %add3A_184 : i32
    %sub3A_186 = arith.constant 1 : i32
    %sub3A_187 = arith.subi %add3A_185, %sub3A_186 : i32
    %jit3A_188 = arith.constant 64 : i32
    %div3A_189 = arith.divsi %sub3A_187, %jit3A_188 : i32
    %sign3A_190 = arith.constant 0 : i32
    %sign3A_191 = arith.cmpi sgt, %sub3A_187, %sign3A_190 : i32
    %sign3A_192 = arith.extui %sign3A_191 : i1 to i32
    %sign3A_193 = arith.constant 0 : i32
    %sign3A_194 = arith.cmpi slt, %sub3A_187, %sign3A_193 : i32
    %sign3A_195 = arith.extui %sign3A_194 : i1 to i32
    %sign3A_196 = arith.subi %sign3A_192, %sign3A_195 : i32
    %sign3A_197 = arith.constant 0 : i32
    %sign3A_198 = arith.cmpi sgt, %jit3A_188, %sign3A_197 : i32
    %sign3A_199 = arith.extui %sign3A_198 : i1 to i32
    %sign3A_200 = arith.constant 0 : i32
    %sign3A_201 = arith.cmpi slt, %jit3A_188, %sign3A_200 : i32
    %sign3A_202 = arith.extui %sign3A_201 : i1 to i32
    %sign3A_203 = arith.subi %sign3A_199, %sign3A_202 : i32
    %ne3A_204 = arith.cmpi ne, %sign3A_196, %sign3A_203 : i32
    %rem3A_205 = arith.remsi %sub3A_187, %jit3A_188 : i32
    %ne3A_206 = arith.constant 0 : i32
    %ne3A_207 = arith.cmpi ne, %rem3A_205, %ne3A_206 : i32
    %and3A_208 = arith.andi %ne3A_204, %ne3A_207 : i1
    %sub3A_209 = arith.constant 1 : i32
    %sub3A_210 = arith.subi %div3A_189, %sub3A_209 : i32
    %select_n3A_211 = arith.select %and3A_208, %sub3A_210, %div3A_189 : i32
    %sub3A_212 = arith.constant 0 : i32
    %sub3A_213 = arith.subi %select_n3A_211, %sub3A_212 : i32
    %sub3A_214 = arith.constant 1 : i32
    %sub3A_215 = arith.constant 1 : i32
    %sub3A_216 = arith.subi %sub3A_214, %sub3A_215 : i32
    %add3A_217 = arith.addi %sub3A_213, %sub3A_216 : i32
    %div3A_218 = arith.constant 1 : i32
    %div3A_219 = arith.divsi %add3A_217, %div3A_218 : i32
    %while3A = arith.constant 1 : i32
    %while3A_220 = arith.constant 0 : i32
    %while3A_221 = arith.constant 0 : i32
    %while3A_222 = arith.subi %div3A_219, %while3A_221 : i32
    %while3A_223 = arith.addi %while3A_221, %while3A_222 : i32
    %while3A_224 = arith.constant 1 : i32
    %while3A_225 = arith.divsi %while3A_222, %while3A_224 : i32
    %while3A_226 = arith.muli %while3A_225, %while3A_224 : i32
    %while3A_227 = arith.addi %while3A_221, %while3A_226 : i32
    %while3A_228 = arith.constant 1 : i32
    scf.for %while3A_238 = %while3A_221 to %while3A_227 step %while3A_228  : i32 {
      %mul3A_239 = arith.muli %while3A_238, %while3A : i32
      %add3A_240 = arith.addi %while3A_220, %mul3A_239 : i32
      %mul3A_241 = arith.constant 64 : i32
      %mul3A_242 = arith.muli %add3A_240, %mul3A_241 : i32
      %add3A_243 = arith.addi %sub3A_111, %mul3A_242 : i32
      %add3A_244 = arith.constant 64 : i32
      %add3A_245 = arith.addi %add3A_243, %add3A_244 : i32
      %min3A_246 = arith.minsi %add3A_245, %min3A_115 : i32
      %sub3A_247 = arith.subi %min3A_246, %add3A_243 : i32
      %min3A_248 = arith.constant 447 : i32
      %min3A_249 = arith.minsi %add3A_243, %min3A_248 : i32
      %sub3A_250 = arith.subi %add3A_243, %min3A_249 : i32
      %mul3A_251 = arith.constant 512 : i32
      %mul3A_252 = arith.muli %min3A_249, %mul3A_251 : i32
      %add3A_253 = arith.addi %mul3A_182, %mul3A_252 : i32
      "tpu.region"() ({
        %run_scoped3A = tpu.sem_alloc : memref<!tpu.dma_semaphore, #tpu.memory_space<semaphore_mem>>
        %dma_start3A = tpu.memref_slice %arg2[%add3A_253] : memref<3145728xf32, #tpu.memory_space<hbm>> -> memref<33280xf32, #tpu.memory_space<hbm>>
        %dma_start3A_259 = tpu.memref_slice %arg2[%add3A_253] : memref<3145728xf32, #tpu.memory_space<hbm>> -> memref<33280xf32, #tpu.memory_space<hbm>>
        tpu.enqueue_dma source(%dma_start3A_259 : memref<33280xf32, #tpu.memory_space<hbm>>) target(%arg5 : memref<33280xf32, #tpu.memory_space<vmem>>) target_semaphore(%run_scoped3A : memref<!tpu.dma_semaphore, #tpu.memory_space<semaphore_mem>>)
        %dma_wait3A = tpu.memref_slice %arg2[%add3A_253] : memref<3145728xf32, #tpu.memory_space<hbm>> -> memref<33280xf32, #tpu.memory_space<hbm>>
        %dma_wait3A_260 = tpu.memref_slice %arg2[%add3A_253] : memref<3145728xf32, #tpu.memory_space<hbm>> -> memref<33280xf32, #tpu.memory_space<hbm>>
        tpu.wait_dma2 semaphore(%run_scoped3A : memref<!tpu.dma_semaphore, #tpu.memory_space<semaphore_mem>>) src(%dma_wait3A_260 : memref<33280xf32, #tpu.memory_space<hbm>>) dst(%arg5 : memref<33280xf32, #tpu.memory_space<vmem>>)
        tpu.yield
      }) : () -> ()
      %scan3A_254 = arith.constant 0 : i32
      %scan3A_255 = arith.constant 32 : i32
      %scan3A_256 = arith.addi %scan3A_254, %scan3A_255 : i32
      %scan3A_257 = arith.constant 1 : i32
      scf.for %scan3A_259 = %scan3A_254 to %scan3A_256 step %scan3A_257  : i32 {
        %mul3A_260 = arith.constant 1 : i32
        %mul3A_261 = arith.muli %scan3A_259, %mul3A_260 : i32
        %add3A_262 = arith.constant 0 : i32
        %add3A_263 = arith.addi %add3A_262, %mul3A_261 : i32
        %mul3A_264 = arith.constant 16 : i32
        %mul3A_265 = arith.muli %add3A_263, %mul3A_264 : i32
        %mul3A_266 = arith.constant 512 : i32
        %mul3A_267 = arith.muli %sub3A_250, %mul3A_266 : i32
        %add3A_268 = arith.addi %mul3A_267, %mul3A_265 : i32
        %get3A = arith.index_cast %add3A_268 : i32 to index
        %get3A_269 = tpu.vector_load %arg5[%get3A] {strides = array<i32>} : memref<33280xf32, #tpu.memory_space<vmem>>, vector<16xf32>,
        %mul3A_270 = arith.constant 2.560000e+02 : f32
        %mul3A_271 = vector.broadcast %mul3A_270 : f32 to vector<16xf32>
        %mul3A_272 = arith.mulf %get3A_269, %mul3A_271 : vector<16xf32>
        %add3A_273 = arith.constant 2.555000e+02 : f32
        %add3A_274 = vector.broadcast %add3A_273 : f32 to vector<16xf32>
        %add3A_275 = arith.addf %mul3A_272, %add3A_274 : vector<16xf32>
        %convert_element_type3A_276 = arith.fptosi %add3A_275 : vector<16xf32> to vector<16xi32>
        %convert_element_type3A_277 = arith.sitofp %convert_element_type3A_276 : vector<16xi32> to vector<16xf32>
        %sub3A_278 = arith.subf %add3A_275, %convert_element_type3A_277 : vector<16xf32>
        %sub3A_279 = arith.constant 256 : i32
        %sub3A_280 = vector.broadcast %sub3A_279 : i32 to vector<16xi32>
        %sub3A_281 = arith.subi %convert_element_type3A_276, %sub3A_280 : vector<16xi32>
        %mul3A_282 = arith.constant 3.14159274 : f32
        %mul3A_283 = vector.broadcast %mul3A_282 : f32 to vector<16xf32>
        %mul3A_284 = arith.mulf %sub3A_278, %mul3A_283 : vector<16xf32>
        %sub3A_285 = arith.constant 1.57079637 : f32
        %sub3A_286 = vector.broadcast %sub3A_285 : f32 to vector<16xf32>
        %sub3A_287 = arith.subf %mul3A_284, %sub3A_286 : vector<16xf32>
        %mul3A_288 = arith.mulf %sub3A_287, %sub3A_287 : vector<16xf32>
        %mul3A_289 = arith.constant 0.00378538459 : f32
        %mul3A_290 = vector.broadcast %mul3A_289 : f32 to vector<16xf32>
        %mul3A_291 = arith.mulf %mul3A_290, %mul3A_288 : vector<16xf32>
        %add3A_292 = arith.constant -0.0829537212 : f32
        %add3A_293 = vector.broadcast %add3A_292 : f32 to vector<16xf32>
        %add3A_294 = arith.addf %add3A_293, %mul3A_291 : vector<16xf32>
        %mul3A_295 = arith.mulf %mul3A_288, %add3A_294 : vector<16xf32>
        %add3A_296 = arith.constant 0.499944717 : f32
        %add3A_297 = vector.broadcast %add3A_296 : f32 to vector<16xf32>
        %add3A_298 = arith.addf %add3A_297, %mul3A_295 : vector<16xf32>
        %mul3A_299 = arith.mulf %sub3A_287, %add3A_298 : vector<16xf32>
        %sub3A_300 = arith.constant 5.000000e-01 : f32
        %sub3A_301 = vector.broadcast %sub3A_300 : f32 to vector<16xf32>
        %sub3A_302 = arith.subf %sub3A_301, %mul3A_299 : vector<16xf32>
        %max3A = arith.constant 0 : i32
        %max3A_303 = vector.broadcast %max3A : i32 to vector<16xi32>
        %max3A_304 = arith.maxsi %sub3A_281, %max3A_303 : vector<16xi32>
        %shift_left3A = arith.constant 8 : i32
        %shift_left3A_305 = vector.broadcast %shift_left3A : i32 to vector<16xi32>
        %shift_left3A_306 = arith.shli %max3A_304, %shift_left3A_305 : vector<16xi32>
        %add3A_307 = arith.constant 1 : i32
        %add3A_308 = vector.broadcast %add3A_307 : i32 to vector<16xi32>
        %add3A_309 = arith.addi %sub3A_281, %add3A_308 : vector<16xi32>
        %min3A_310 = arith.constant 255 : i32
        %min3A_311 = vector.broadcast %min3A_310 : i32 to vector<16xi32>
        %min3A_312 = arith.minsi %add3A_309, %min3A_311 : vector<16xi32>
        %shift_left3A_313 = arith.constant 8 : i32
        %shift_left3A_314 = vector.broadcast %shift_left3A_313 : i32 to vector<16xi32>
        %shift_left3A_315 = arith.shli %min3A_312, %shift_left3A_314 : vector<16xi32>
        %sub3A_316 = arith.constant 1.000000e+00 : f32
        %sub3A_317 = vector.broadcast %sub3A_316 : f32 to vector<16xf32>
        %sub3A_318 = arith.subf %sub3A_317, %sub3A_302 : vector<16xf32>
        %parallel_loop3A = arith.constant 0 : i32
        %parallel_loop3A_319 = arith.constant 64 : i32
        %parallel_loop3A_320 = arith.constant 1 : i32
        %parallel_loop3A_321:4 = scf.for %parallel_loop3A_322 = %parallel_loop3A to %parallel_loop3A_319 step %parallel_loop3A_320 iter_args(%parallel_loop3A_323 = %shift_left3A_306, %parallel_loop3A_324 = %shift_left3A_315, %parallel_loop3A_325 = %sub3A_302, %parallel_loop3A_326 = %sub3A_318) -> (vector<16xi32>, vector<16xi32>, vector<16xf32>, vector<16xf32>)  : i32 {
          %parallel_loop3A_327 = arith.cmpi slt, %parallel_loop3A_322, %sub3A_247 : i32
          %parallel_loop3A_328 = vector.broadcast %parallel_loop3A_327 : i1 to vector<16xi1>
          %parallel_loop3A_329 = arith.constant 1 : i32
          %parallel_loop3A_330 = arith.addi %sub3A_250, %parallel_loop3A_329 : i32
          %parallel_loop3A_331 = arith.addi %parallel_loop3A_330, %parallel_loop3A_322 : i32
          %parallel_loop3A_332 = arith.constant 512 : i32
          %parallel_loop3A_333 = arith.muli %parallel_loop3A_331, %parallel_loop3A_332 : i32
          %parallel_loop3A_334 = arith.addi %parallel_loop3A_333, %mul3A_265 : i32
          %parallel_loop3A_335 = arith.index_cast %parallel_loop3A_334 : i32 to index
          %parallel_loop3A_336 = tpu.vector_load %arg5[%parallel_loop3A_335] {strides = array<i32>} : memref<33280xf32, #tpu.memory_space<vmem>>, vector<16xf32>,
          %parallel_loop3A_337 = arith.constant 2.560000e+02 : f32
          %parallel_loop3A_338 = vector.broadcast %parallel_loop3A_337 : f32 to vector<16xf32>
          %parallel_loop3A_339 = arith.mulf %parallel_loop3A_336, %parallel_loop3A_338 : vector<16xf32>
          %parallel_loop3A_340 = arith.constant 2.555000e+02 : f32
          %parallel_loop3A_341 = vector.broadcast %parallel_loop3A_340 : f32 to vector<16xf32>
          %parallel_loop3A_342 = arith.addf %parallel_loop3A_339, %parallel_loop3A_341 : vector<16xf32>
          %parallel_loop3A_343 = arith.fptosi %parallel_loop3A_342 : vector<16xf32> to vector<16xi32>
          %parallel_loop3A_344 = arith.sitofp %parallel_loop3A_343 : vector<16xi32> to vector<16xf32>
          %parallel_loop3A_345 = arith.subf %parallel_loop3A_342, %parallel_loop3A_344 : vector<16xf32>
          %parallel_loop3A_346 = arith.constant 256 : i32
          %parallel_loop3A_347 = vector.broadcast %parallel_loop3A_346 : i32 to vector<16xi32>
          %parallel_loop3A_348 = arith.subi %parallel_loop3A_343, %parallel_loop3A_347 : vector<16xi32>
          %parallel_loop3A_349 = arith.constant 3.14159274 : f32
          %parallel_loop3A_350 = vector.broadcast %parallel_loop3A_349 : f32 to vector<16xf32>
          %parallel_loop3A_351 = arith.mulf %parallel_loop3A_345, %parallel_loop3A_350 : vector<16xf32>
          %parallel_loop3A_352 = arith.constant 1.57079637 : f32
          %parallel_loop3A_353 = vector.broadcast %parallel_loop3A_352 : f32 to vector<16xf32>
          %parallel_loop3A_354 = arith.subf %parallel_loop3A_351, %parallel_loop3A_353 : vector<16xf32>
          %parallel_loop3A_355 = arith.mulf %parallel_loop3A_354, %parallel_loop3A_354 : vector<16xf32>
          %parallel_loop3A_356 = arith.constant 0.00378538459 : f32
          %parallel_loop3A_357 = vector.broadcast %parallel_loop3A_356 : f32 to vector<16xf32>
          %parallel_loop3A_358 = arith.mulf %parallel_loop3A_357, %parallel_loop3A_355 : vector<16xf32>
          %parallel_loop3A_359 = arith.constant -0.0829537212 : f32
          %parallel_loop3A_360 = vector.broadcast %parallel_loop3A_359 : f32 to vector<16xf32>
          %parallel_loop3A_361 = arith.addf %parallel_loop3A_360, %parallel_loop3A_358 : vector<16xf32>
          %parallel_loop3A_362 = arith.mulf %parallel_loop3A_355, %parallel_loop3A_361 : vector<16xf32>
          %parallel_loop3A_363 = arith.constant 0.499944717 : f32
          %parallel_loop3A_364 = vector.broadcast %parallel_loop3A_363 : f32 to vector<16xf32>
          %parallel_loop3A_365 = arith.addf %parallel_loop3A_364, %parallel_loop3A_362 : vector<16xf32>
          %parallel_loop3A_366 = arith.mulf %parallel_loop3A_354, %parallel_loop3A_365 : vector<16xf32>
          %parallel_loop3A_367 = arith.constant 5.000000e-01 : f32
          %parallel_loop3A_368 = vector.broadcast %parallel_loop3A_367 : f32 to vector<16xf32>
          %parallel_loop3A_369 = arith.subf %parallel_loop3A_368, %parallel_loop3A_366 : vector<16xf32>
          %parallel_loop3A_370 = arith.constant 1.000000e+00 : f32
          %parallel_loop3A_371 = vector.broadcast %parallel_loop3A_370 : f32 to vector<16xf32>
          %parallel_loop3A_372 = arith.subf %parallel_loop3A_371, %parallel_loop3A_369 : vector<16xf32>
          %parallel_loop3A_373 = arith.constant 0 : i32
          %parallel_loop3A_374 = vector.broadcast %parallel_loop3A_373 : i32 to vector<16xi32>
          %parallel_loop3A_375 = arith.maxsi %parallel_loop3A_348, %parallel_loop3A_374 : vector<16xi32>
          %parallel_loop3A_376 = arith.constant 1 : i32
          %parallel_loop3A_377 = vector.broadcast %parallel_loop3A_376 : i32 to vector<16xi32>
          %parallel_loop3A_378 = arith.addi %parallel_loop3A_348, %parallel_loop3A_377 : vector<16xi32>
          %parallel_loop3A_379 = arith.constant 255 : i32
          %parallel_loop3A_380 = vector.broadcast %parallel_loop3A_379 : i32 to vector<16xi32>
          %parallel_loop3A_381 = arith.minsi %parallel_loop3A_378, %parallel_loop3A_380 : vector<16xi32>
          %parallel_loop3A_382 = arith.addi %parallel_loop3A_323, %parallel_loop3A_375 : vector<16xi32>
          %parallel_loop3A_383 = arith.mulf %parallel_loop3A_325, %parallel_loop3A_369 : vector<16xf32>
          tpu.vector_store_idx %arg4[%parallel_loop3A_382], %parallel_loop3A_383 masked %parallel_loop3A_328 {add = true} : memref<65536xf32, #tpu.memory_space<vmem>>[vector<16xi32>], vector<16xf32>, vector<16xi1>
          %parallel_loop3A_384 = arith.addi %parallel_loop3A_323, %parallel_loop3A_381 : vector<16xi32>
          %parallel_loop3A_385 = arith.mulf %parallel_loop3A_325, %parallel_loop3A_372 : vector<16xf32>
          tpu.vector_store_idx %arg4[%parallel_loop3A_384], %parallel_loop3A_385 masked %parallel_loop3A_328 {add = true} : memref<65536xf32, #tpu.memory_space<vmem>>[vector<16xi32>], vector<16xf32>, vector<16xi1>
          %parallel_loop3A_386 = arith.addi %parallel_loop3A_324, %parallel_loop3A_375 : vector<16xi32>
          %parallel_loop3A_387 = arith.mulf %parallel_loop3A_326, %parallel_loop3A_369 : vector<16xf32>
          tpu.vector_store_idx %arg4[%parallel_loop3A_386], %parallel_loop3A_387 masked %parallel_loop3A_328 {add = true} : memref<65536xf32, #tpu.memory_space<vmem>>[vector<16xi32>], vector<16xf32>, vector<16xi1>
          %parallel_loop3A_388 = arith.addi %parallel_loop3A_324, %parallel_loop3A_381 : vector<16xi32>
          %parallel_loop3A_389 = arith.mulf %parallel_loop3A_326, %parallel_loop3A_372 : vector<16xf32>
          tpu.vector_store_idx %arg4[%parallel_loop3A_388], %parallel_loop3A_389 masked %parallel_loop3A_328 {add = true} : memref<65536xf32, #tpu.memory_space<vmem>>[vector<16xi32>], vector<16xf32>, vector<16xi1>
          %parallel_loop3A_390 = arith.constant 8 : i32
          %parallel_loop3A_391 = vector.broadcast %parallel_loop3A_390 : i32 to vector<16xi32>
          %parallel_loop3A_392 = arith.shli %parallel_loop3A_375, %parallel_loop3A_391 : vector<16xi32>
          %parallel_loop3A_393 = arith.constant 8 : i32
          %parallel_loop3A_394 = vector.broadcast %parallel_loop3A_393 : i32 to vector<16xi32>
          %parallel_loop3A_395 = arith.shli %parallel_loop3A_381, %parallel_loop3A_394 : vector<16xi32>
          scf.yield %parallel_loop3A_392, %parallel_loop3A_395, %parallel_loop3A_369, %parallel_loop3A_372 : vector<16xi32>, vector<16xi32>, vector<16xf32>, vector<16xf32>
        } {sc.loop_unroll_factor = 4 : i64, sc.parallel_access}
      }
      %scan3A_258 = arith.constant 32 : i32
    }
    %while3A_229 = arith.constant 1 : i32
    scf.for %while3A_238 = %while3A_227 to %while3A_223 step %while3A_229  : i32 {
      %mul3A_239 = arith.muli %while3A_238, %while3A : i32
      %add3A_240 = arith.addi %while3A_220, %mul3A_239 : i32
      %mul3A_241 = arith.constant 64 : i32
      %mul3A_242 = arith.muli %add3A_240, %mul3A_241 : i32
      %add3A_243 = arith.addi %sub3A_111, %mul3A_242 : i32
      %add3A_244 = arith.constant 64 : i32
      %add3A_245 = arith.addi %add3A_243, %add3A_244 : i32
      %min3A_246 = arith.minsi %add3A_245, %min3A_115 : i32
      %sub3A_247 = arith.subi %min3A_246, %add3A_243 : i32
      %min3A_248 = arith.constant 447 : i32
      %min3A_249 = arith.minsi %add3A_243, %min3A_248 : i32
      %sub3A_250 = arith.subi %add3A_243, %min3A_249 : i32
      %mul3A_251 = arith.constant 512 : i32
      %mul3A_252 = arith.muli %min3A_249, %mul3A_251 : i32
      %add3A_253 = arith.addi %mul3A_182, %mul3A_252 : i32
      "tpu.region"() ({
        %run_scoped3A = tpu.sem_alloc : memref<!tpu.dma_semaphore, #tpu.memory_space<semaphore_mem>>
        %dma_start3A = tpu.memref_slice %arg2[%add3A_253] : memref<3145728xf32, #tpu.memory_space<hbm>> -> memref<33280xf32, #tpu.memory_space<hbm>>
        %dma_start3A_259 = tpu.memref_slice %arg2[%add3A_253] : memref<3145728xf32, #tpu.memory_space<hbm>> -> memref<33280xf32, #tpu.memory_space<hbm>>
        tpu.enqueue_dma source(%dma_start3A_259 : memref<33280xf32, #tpu.memory_space<hbm>>) target(%arg5 : memref<33280xf32, #tpu.memory_space<vmem>>) target_semaphore(%run_scoped3A : memref<!tpu.dma_semaphore, #tpu.memory_space<semaphore_mem>>)
        %dma_wait3A = tpu.memref_slice %arg2[%add3A_253] : memref<3145728xf32, #tpu.memory_space<hbm>> -> memref<33280xf32, #tpu.memory_space<hbm>>
        %dma_wait3A_260 = tpu.memref_slice %arg2[%add3A_253] : memref<3145728xf32, #tpu.memory_space<hbm>> -> memref<33280xf32, #tpu.memory_space<hbm>>
        tpu.wait_dma2 semaphore(%run_scoped3A : memref<!tpu.dma_semaphore, #tpu.memory_space<semaphore_mem>>) src(%dma_wait3A_260 : memref<33280xf32, #tpu.memory_space<hbm>>) dst(%arg5 : memref<33280xf32, #tpu.memory_space<vmem>>)
        tpu.yield
      }) : () -> ()
      %scan3A_254 = arith.constant 0 : i32
      %scan3A_255 = arith.constant 32 : i32
      %scan3A_256 = arith.addi %scan3A_254, %scan3A_255 : i32
      %scan3A_257 = arith.constant 1 : i32
      scf.for %scan3A_259 = %scan3A_254 to %scan3A_256 step %scan3A_257  : i32 {
        %mul3A_260 = arith.constant 1 : i32
        %mul3A_261 = arith.muli %scan3A_259, %mul3A_260 : i32
        %add3A_262 = arith.constant 0 : i32
        %add3A_263 = arith.addi %add3A_262, %mul3A_261 : i32
        %mul3A_264 = arith.constant 16 : i32
        %mul3A_265 = arith.muli %add3A_263, %mul3A_264 : i32
        %mul3A_266 = arith.constant 512 : i32
        %mul3A_267 = arith.muli %sub3A_250, %mul3A_266 : i32
        %add3A_268 = arith.addi %mul3A_267, %mul3A_265 : i32
        %get3A = arith.index_cast %add3A_268 : i32 to index
        %get3A_269 = tpu.vector_load %arg5[%get3A] {strides = array<i32>} : memref<33280xf32, #tpu.memory_space<vmem>>, vector<16xf32>,
        %mul3A_270 = arith.constant 2.560000e+02 : f32
        %mul3A_271 = vector.broadcast %mul3A_270 : f32 to vector<16xf32>
        %mul3A_272 = arith.mulf %get3A_269, %mul3A_271 : vector<16xf32>
        %add3A_273 = arith.constant 2.555000e+02 : f32
        %add3A_274 = vector.broadcast %add3A_273 : f32 to vector<16xf32>
        %add3A_275 = arith.addf %mul3A_272, %add3A_274 : vector<16xf32>
        %convert_element_type3A_276 = arith.fptosi %add3A_275 : vector<16xf32> to vector<16xi32>
        %convert_element_type3A_277 = arith.sitofp %convert_element_type3A_276 : vector<16xi32> to vector<16xf32>
        %sub3A_278 = arith.subf %add3A_275, %convert_element_type3A_277 : vector<16xf32>
        %sub3A_279 = arith.constant 256 : i32
        %sub3A_280 = vector.broadcast %sub3A_279 : i32 to vector<16xi32>
        %sub3A_281 = arith.subi %convert_element_type3A_276, %sub3A_280 : vector<16xi32>
        %mul3A_282 = arith.constant 3.14159274 : f32
        %mul3A_283 = vector.broadcast %mul3A_282 : f32 to vector<16xf32>
        %mul3A_284 = arith.mulf %sub3A_278, %mul3A_283 : vector<16xf32>
        %sub3A_285 = arith.constant 1.57079637 : f32
        %sub3A_286 = vector.broadcast %sub3A_285 : f32 to vector<16xf32>
        %sub3A_287 = arith.subf %mul3A_284, %sub3A_286 : vector<16xf32>
        %mul3A_288 = arith.mulf %sub3A_287, %sub3A_287 : vector<16xf32>
        %mul3A_289 = arith.constant 0.00378538459 : f32
        %mul3A_290 = vector.broadcast %mul3A_289 : f32 to vector<16xf32>
        %mul3A_291 = arith.mulf %mul3A_290, %mul3A_288 : vector<16xf32>
        %add3A_292 = arith.constant -0.0829537212 : f32
        %add3A_293 = vector.broadcast %add3A_292 : f32 to vector<16xf32>
        %add3A_294 = arith.addf %add3A_293, %mul3A_291 : vector<16xf32>
        %mul3A_295 = arith.mulf %mul3A_288, %add3A_294 : vector<16xf32>
        %add3A_296 = arith.constant 0.499944717 : f32
        %add3A_297 = vector.broadcast %add3A_296 : f32 to vector<16xf32>
        %add3A_298 = arith.addf %add3A_297, %mul3A_295 : vector<16xf32>
        %mul3A_299 = arith.mulf %sub3A_287, %add3A_298 : vector<16xf32>
        %sub3A_300 = arith.constant 5.000000e-01 : f32
        %sub3A_301 = vector.broadcast %sub3A_300 : f32 to vector<16xf32>
        %sub3A_302 = arith.subf %sub3A_301, %mul3A_299 : vector<16xf32>
        %max3A = arith.constant 0 : i32
        %max3A_303 = vector.broadcast %max3A : i32 to vector<16xi32>
        %max3A_304 = arith.maxsi %sub3A_281, %max3A_303 : vector<16xi32>
        %shift_left3A = arith.constant 8 : i32
        %shift_left3A_305 = vector.broadcast %shift_left3A : i32 to vector<16xi32>
        %shift_left3A_306 = arith.shli %max3A_304, %shift_left3A_305 : vector<16xi32>
        %add3A_307 = arith.constant 1 : i32
        %add3A_308 = vector.broadcast %add3A_307 : i32 to vector<16xi32>
        %add3A_309 = arith.addi %sub3A_281, %add3A_308 : vector<16xi32>
        %min3A_310 = arith.constant 255 : i32
        %min3A_311 = vector.broadcast %min3A_310 : i32 to vector<16xi32>
        %min3A_312 = arith.minsi %add3A_309, %min3A_311 : vector<16xi32>
        %shift_left3A_313 = arith.constant 8 : i32
        %shift_left3A_314 = vector.broadcast %shift_left3A_313 : i32 to vector<16xi32>
        %shift_left3A_315 = arith.shli %min3A_312, %shift_left3A_314 : vector<16xi32>
        %sub3A_316 = arith.constant 1.000000e+00 : f32
        %sub3A_317 = vector.broadcast %sub3A_316 : f32 to vector<16xf32>
        %sub3A_318 = arith.subf %sub3A_317, %sub3A_302 : vector<16xf32>
        %parallel_loop3A = arith.constant 0 : i32
        %parallel_loop3A_319 = arith.constant 64 : i32
        %parallel_loop3A_320 = arith.constant 1 : i32
        %parallel_loop3A_321:4 = scf.for %parallel_loop3A_322 = %parallel_loop3A to %parallel_loop3A_319 step %parallel_loop3A_320 iter_args(%parallel_loop3A_323 = %shift_left3A_306, %parallel_loop3A_324 = %shift_left3A_315, %parallel_loop3A_325 = %sub3A_302, %parallel_loop3A_326 = %sub3A_318) -> (vector<16xi32>, vector<16xi32>, vector<16xf32>, vector<16xf32>)  : i32 {
          %parallel_loop3A_327 = arith.cmpi slt, %parallel_loop3A_322, %sub3A_247 : i32
          %parallel_loop3A_328 = vector.broadcast %parallel_loop3A_327 : i1 to vector<16xi1>
          %parallel_loop3A_329 = arith.constant 1 : i32
          %parallel_loop3A_330 = arith.addi %sub3A_250, %parallel_loop3A_329 : i32
          %parallel_loop3A_331 = arith.addi %parallel_loop3A_330, %parallel_loop3A_322 : i32
          %parallel_loop3A_332 = arith.constant 512 : i32
          %parallel_loop3A_333 = arith.muli %parallel_loop3A_331, %parallel_loop3A_332 : i32
          %parallel_loop3A_334 = arith.addi %parallel_loop3A_333, %mul3A_265 : i32
          %parallel_loop3A_335 = arith.index_cast %parallel_loop3A_334 : i32 to index
          %parallel_loop3A_336 = tpu.vector_load %arg5[%parallel_loop3A_335] {strides = array<i32>} : memref<33280xf32, #tpu.memory_space<vmem>>, vector<16xf32>,
          %parallel_loop3A_337 = arith.constant 2.560000e+02 : f32
          %parallel_loop3A_338 = vector.broadcast %parallel_loop3A_337 : f32 to vector<16xf32>
          %parallel_loop3A_339 = arith.mulf %parallel_loop3A_336, %parallel_loop3A_338 : vector<16xf32>
          %parallel_loop3A_340 = arith.constant 2.555000e+02 : f32
          %parallel_loop3A_341 = vector.broadcast %parallel_loop3A_340 : f32 to vector<16xf32>
          %parallel_loop3A_342 = arith.addf %parallel_loop3A_339, %parallel_loop3A_341 : vector<16xf32>
          %parallel_loop3A_343 = arith.fptosi %parallel_loop3A_342 : vector<16xf32> to vector<16xi32>
          %parallel_loop3A_344 = arith.sitofp %parallel_loop3A_343 : vector<16xi32> to vector<16xf32>
          %parallel_loop3A_345 = arith.subf %parallel_loop3A_342, %parallel_loop3A_344 : vector<16xf32>
          %parallel_loop3A_346 = arith.constant 256 : i32
          %parallel_loop3A_347 = vector.broadcast %parallel_loop3A_346 : i32 to vector<16xi32>
          %parallel_loop3A_348 = arith.subi %parallel_loop3A_343, %parallel_loop3A_347 : vector<16xi32>
          %parallel_loop3A_349 = arith.constant 3.14159274 : f32
          %parallel_loop3A_350 = vector.broadcast %parallel_loop3A_349 : f32 to vector<16xf32>
          %parallel_loop3A_351 = arith.mulf %parallel_loop3A_345, %parallel_loop3A_350 : vector<16xf32>
          %parallel_loop3A_352 = arith.constant 1.57079637 : f32
          %parallel_loop3A_353 = vector.broadcast %parallel_loop3A_352 : f32 to vector<16xf32>
          %parallel_loop3A_354 = arith.subf %parallel_loop3A_351, %parallel_loop3A_353 : vector<16xf32>
          %parallel_loop3A_355 = arith.mulf %parallel_loop3A_354, %parallel_loop3A_354 : vector<16xf32>
          %parallel_loop3A_356 = arith.constant 0.00378538459 : f32
          %parallel_loop3A_357 = vector.broadcast %parallel_loop3A_356 : f32 to vector<16xf32>
          %parallel_loop3A_358 = arith.mulf %parallel_loop3A_357, %parallel_loop3A_355 : vector<16xf32>
          %parallel_loop3A_359 = arith.constant -0.0829537212 : f32
          %parallel_loop3A_360 = vector.broadcast %parallel_loop3A_359 : f32 to vector<16xf32>
          %parallel_loop3A_361 = arith.addf %parallel_loop3A_360, %parallel_loop3A_358 : vector<16xf32>
          %parallel_loop3A_362 = arith.mulf %parallel_loop3A_355, %parallel_loop3A_361 : vector<16xf32>
          %parallel_loop3A_363 = arith.constant 0.499944717 : f32
          %parallel_loop3A_364 = vector.broadcast %parallel_loop3A_363 : f32 to vector<16xf32>
          %parallel_loop3A_365 = arith.addf %parallel_loop3A_364, %parallel_loop3A_362 : vector<16xf32>
          %parallel_loop3A_366 = arith.mulf %parallel_loop3A_354, %parallel_loop3A_365 : vector<16xf32>
          %parallel_loop3A_367 = arith.constant 5.000000e-01 : f32
          %parallel_loop3A_368 = vector.broadcast %parallel_loop3A_367 : f32 to vector<16xf32>
          %parallel_loop3A_369 = arith.subf %parallel_loop3A_368, %parallel_loop3A_366 : vector<16xf32>
          %parallel_loop3A_370 = arith.constant 1.000000e+00 : f32
          %parallel_loop3A_371 = vector.broadcast %parallel_loop3A_370 : f32 to vector<16xf32>
          %parallel_loop3A_372 = arith.subf %parallel_loop3A_371, %parallel_loop3A_369 : vector<16xf32>
          %parallel_loop3A_373 = arith.constant 0 : i32
          %parallel_loop3A_374 = vector.broadcast %parallel_loop3A_373 : i32 to vector<16xi32>
          %parallel_loop3A_375 = arith.maxsi %parallel_loop3A_348, %parallel_loop3A_374 : vector<16xi32>
          %parallel_loop3A_376 = arith.constant 1 : i32
          %parallel_loop3A_377 = vector.broadcast %parallel_loop3A_376 : i32 to vector<16xi32>
          %parallel_loop3A_378 = arith.addi %parallel_loop3A_348, %parallel_loop3A_377 : vector<16xi32>
          %parallel_loop3A_379 = arith.constant 255 : i32
          %parallel_loop3A_380 = vector.broadcast %parallel_loop3A_379 : i32 to vector<16xi32>
          %parallel_loop3A_381 = arith.minsi %parallel_loop3A_378, %parallel_loop3A_380 : vector<16xi32>
          %parallel_loop3A_382 = arith.addi %parallel_loop3A_323, %parallel_loop3A_375 : vector<16xi32>
          %parallel_loop3A_383 = arith.mulf %parallel_loop3A_325, %parallel_loop3A_369 : vector<16xf32>
          tpu.vector_store_idx %arg4[%parallel_loop3A_382], %parallel_loop3A_383 masked %parallel_loop3A_328 {add = true} : memref<65536xf32, #tpu.memory_space<vmem>>[vector<16xi32>], vector<16xf32>, vector<16xi1>
          %parallel_loop3A_384 = arith.addi %parallel_loop3A_323, %parallel_loop3A_381 : vector<16xi32>
          %parallel_loop3A_385 = arith.mulf %parallel_loop3A_325, %parallel_loop3A_372 : vector<16xf32>
          tpu.vector_store_idx %arg4[%parallel_loop3A_384], %parallel_loop3A_385 masked %parallel_loop3A_328 {add = true} : memref<65536xf32, #tpu.memory_space<vmem>>[vector<16xi32>], vector<16xf32>, vector<16xi1>
          %parallel_loop3A_386 = arith.addi %parallel_loop3A_324, %parallel_loop3A_375 : vector<16xi32>
          %parallel_loop3A_387 = arith.mulf %parallel_loop3A_326, %parallel_loop3A_369 : vector<16xf32>
          tpu.vector_store_idx %arg4[%parallel_loop3A_386], %parallel_loop3A_387 masked %parallel_loop3A_328 {add = true} : memref<65536xf32, #tpu.memory_space<vmem>>[vector<16xi32>], vector<16xf32>, vector<16xi1>
          %parallel_loop3A_388 = arith.addi %parallel_loop3A_324, %parallel_loop3A_381 : vector<16xi32>
          %parallel_loop3A_389 = arith.mulf %parallel_loop3A_326, %parallel_loop3A_372 : vector<16xf32>
          tpu.vector_store_idx %arg4[%parallel_loop3A_388], %parallel_loop3A_389 masked %parallel_loop3A_328 {add = true} : memref<65536xf32, #tpu.memory_space<vmem>>[vector<16xi32>], vector<16xf32>, vector<16xi1>
          %parallel_loop3A_390 = arith.constant 8 : i32
          %parallel_loop3A_391 = vector.broadcast %parallel_loop3A_390 : i32 to vector<16xi32>
          %parallel_loop3A_392 = arith.shli %parallel_loop3A_375, %parallel_loop3A_391 : vector<16xi32>
          %parallel_loop3A_393 = arith.constant 8 : i32
          %parallel_loop3A_394 = vector.broadcast %parallel_loop3A_393 : i32 to vector<16xi32>
          %parallel_loop3A_395 = arith.shli %parallel_loop3A_381, %parallel_loop3A_394 : vector<16xi32>
          scf.yield %parallel_loop3A_392, %parallel_loop3A_395, %parallel_loop3A_369, %parallel_loop3A_372 : vector<16xi32>, vector<16xi32>, vector<16xf32>, vector<16xf32>
        } {sc.loop_unroll_factor = 4 : i64, sc.parallel_access}
      }
      %scan3A_258 = arith.constant 32 : i32
    }
    %mul3A_230 = arith.constant 4 : i32
    %mul3A_231 = arith.muli %add3A_180, %mul3A_230 : i32
    %add3A_232 = arith.addi %mul3A_231, %sub3A_177 : i32
    %mul3A_233 = arith.constant 65536 : i32
    %mul3A_234 = arith.muli %add3A_232, %mul3A_233 : i32
    "tpu.region"() ({
      %run_scoped3A = tpu.sem_alloc : memref<!tpu.dma_semaphore, #tpu.memory_space<semaphore_mem>>
      %dma_start3A = tpu.memref_slice %arg3[%mul3A_234] : memref<3145728xf32, #tpu.memory_space<hbm>> -> memref<65536xf32, #tpu.memory_space<hbm>>
      %dma_start3A_238 = tpu.memref_slice %arg3[%mul3A_234] : memref<3145728xf32, #tpu.memory_space<hbm>> -> memref<65536xf32, #tpu.memory_space<hbm>>
      tpu.enqueue_dma source(%arg4 : memref<65536xf32, #tpu.memory_space<vmem>>) target(%dma_start3A_238 : memref<65536xf32, #tpu.memory_space<hbm>>) target_semaphore(%run_scoped3A : memref<!tpu.dma_semaphore, #tpu.memory_space<semaphore_mem>>)
      %dma_wait3A = tpu.memref_slice %arg3[%mul3A_234] : memref<3145728xf32, #tpu.memory_space<hbm>> -> memref<65536xf32, #tpu.memory_space<hbm>>
      %dma_wait3A_239 = tpu.memref_slice %arg3[%mul3A_234] : memref<3145728xf32, #tpu.memory_space<hbm>> -> memref<65536xf32, #tpu.memory_space<hbm>>
      tpu.wait_dma2 semaphore(%run_scoped3A : memref<!tpu.dma_semaphore, #tpu.memory_space<semaphore_mem>>) src(%arg4 : memref<65536xf32, #tpu.memory_space<vmem>>) dst(%dma_wait3A_239 : memref<65536xf32, #tpu.memory_space<hbm>>)
      tpu.yield
    }) : () -> ()
    %convert_element_type3A_235 = arith.extui %gt3A : i1 to i32
    %cond3A_236 = arith.constant 0 : i32
    %cond3A_237 = arith.cmpi ne, %convert_element_type3A_235, %cond3A_236 : i32
    scf.if %cond3A_237 {
      %scan3A_238 = arith.constant 0 : i32
      %scan3A_239 = arith.constant 4096 : i32
      %scan3A_240 = arith.addi %scan3A_238, %scan3A_239 : i32
      %scan3A_241 = arith.constant 8 : i32
      scf.for %scan3A_332 = %scan3A_238 to %scan3A_240 step %scan3A_241  : i32 {
        %mul3A_333 = arith.constant 16 : i32
        %mul3A_334 = arith.muli %scan3A_332, %mul3A_333 : i32
        %add3A_335 = arith.constant 0 : i32
        %add3A_336 = arith.addi %add3A_335, %mul3A_334 : i32
        %broadcast_in_dim3A = arith.constant 0.000000e+00 : f32
        %broadcast_in_dim3A_337 = vector.broadcast %broadcast_in_dim3A : f32 to vector<16xf32>
        %swap3A = arith.index_cast %add3A_336 : i32 to index
        %swap3A_338 = tpu.vector_load %arg4[%swap3A] {strides = array<i32>} : memref<65536xf32, #tpu.memory_space<vmem>>, vector<16xf32>,
        tpu.vector_store %arg4[%swap3A], %broadcast_in_dim3A_337 {strides = array<i32>} : memref<65536xf32, #tpu.memory_space<vmem>>, vector<16xf32>,
        %scan3A_339 = arith.constant 1 : i32
        %scan3A_340 = arith.addi %scan3A_332, %scan3A_339 : i32
        %mul3A_341 = arith.constant 16 : i32
        %mul3A_342 = arith.muli %scan3A_340, %mul3A_341 : i32
        %add3A_343 = arith.constant 0 : i32
        %add3A_344 = arith.addi %add3A_343, %mul3A_342 : i32
        %broadcast_in_dim3A_345 = arith.constant 0.000000e+00 : f32
        %broadcast_in_dim3A_346 = vector.broadcast %broadcast_in_dim3A_345 : f32 to vector<16xf32>
        %swap3A_347 = arith.index_cast %add3A_344 : i32 to index
        %swap3A_348 = tpu.vector_load %arg4[%swap3A_347] {strides = array<i32>} : memref<65536xf32, #tpu.memory_space<vmem>>, vector<16xf32>,
        tpu.vector_store %arg4[%swap3A_347], %broadcast_in_dim3A_346 {strides = array<i32>} : memref<65536xf32, #tpu.memory_space<vmem>>, vector<16xf32>,
        %scan3A_349 = arith.constant 2 : i32
        %scan3A_350 = arith.addi %scan3A_332, %scan3A_349 : i32
        %mul3A_351 = arith.constant 16 : i32
        %mul3A_352 = arith.muli %scan3A_350, %mul3A_351 : i32
        %add3A_353 = arith.constant 0 : i32
        %add3A_354 = arith.addi %add3A_353, %mul3A_352 : i32
        %broadcast_in_dim3A_355 = arith.constant 0.000000e+00 : f32
        %broadcast_in_dim3A_356 = vector.broadcast %broadcast_in_dim3A_355 : f32 to vector<16xf32>
        %swap3A_357 = arith.index_cast %add3A_354 : i32 to index
        %swap3A_358 = tpu.vector_load %arg4[%swap3A_357] {strides = array<i32>} : memref<65536xf32, #tpu.memory_space<vmem>>, vector<16xf32>,
        tpu.vector_store %arg4[%swap3A_357], %broadcast_in_dim3A_356 {strides = array<i32>} : memref<65536xf32, #tpu.memory_space<vmem>>, vector<16xf32>,
        %scan3A_359 = arith.constant 3 : i32
        %scan3A_360 = arith.addi %scan3A_332, %scan3A_359 : i32
        %mul3A_361 = arith.constant 16 : i32
        %mul3A_362 = arith.muli %scan3A_360, %mul3A_361 : i32
        %add3A_363 = arith.constant 0 : i32
        %add3A_364 = arith.addi %add3A_363, %mul3A_362 : i32
        %broadcast_in_dim3A_365 = arith.constant 0.000000e+00 : f32
        %broadcast_in_dim3A_366 = vector.broadcast %broadcast_in_dim3A_365 : f32 to vector<16xf32>
        %swap3A_367 = arith.index_cast %add3A_364 : i32 to index
        %swap3A_368 = tpu.vector_load %arg4[%swap3A_367] {strides = array<i32>} : memref<65536xf32, #tpu.memory_space<vmem>>, vector<16xf32>,
        tpu.vector_store %arg4[%swap3A_367], %broadcast_in_dim3A_366 {strides = array<i32>} : memref<65536xf32, #tpu.memory_space<vmem>>, vector<16xf32>,
        %scan3A_369 = arith.constant 4 : i32
        %scan3A_370 = arith.addi %scan3A_332, %scan3A_369 : i32
        %mul3A_371 = arith.constant 16 : i32
        %mul3A_372 = arith.muli %scan3A_370, %mul3A_371 : i32
        %add3A_373 = arith.constant 0 : i32
        %add3A_374 = arith.addi %add3A_373, %mul3A_372 : i32
        %broadcast_in_dim3A_375 = arith.constant 0.000000e+00 : f32
        %broadcast_in_dim3A_376 = vector.broadcast %broadcast_in_dim3A_375 : f32 to vector<16xf32>
        %swap3A_377 = arith.index_cast %add3A_374 : i32 to index
        %swap3A_378 = tpu.vector_load %arg4[%swap3A_377] {strides = array<i32>} : memref<65536xf32, #tpu.memory_space<vmem>>, vector<16xf32>,
        tpu.vector_store %arg4[%swap3A_377], %broadcast_in_dim3A_376 {strides = array<i32>} : memref<65536xf32, #tpu.memory_space<vmem>>, vector<16xf32>,
        %scan3A_379 = arith.constant 5 : i32
        %scan3A_380 = arith.addi %scan3A_332, %scan3A_379 : i32
        %mul3A_381 = arith.constant 16 : i32
        %mul3A_382 = arith.muli %scan3A_380, %mul3A_381 : i32
        %add3A_383 = arith.constant 0 : i32
        %add3A_384 = arith.addi %add3A_383, %mul3A_382 : i32
        %broadcast_in_dim3A_385 = arith.constant 0.000000e+00 : f32
        %broadcast_in_dim3A_386 = vector.broadcast %broadcast_in_dim3A_385 : f32 to vector<16xf32>
        %swap3A_387 = arith.index_cast %add3A_384 : i32 to index
        %swap3A_388 = tpu.vector_load %arg4[%swap3A_387] {strides = array<i32>} : memref<65536xf32, #tpu.memory_space<vmem>>, vector<16xf32>,
        tpu.vector_store %arg4[%swap3A_387], %broadcast_in_dim3A_386 {strides = array<i32>} : memref<65536xf32, #tpu.memory_space<vmem>>, vector<16xf32>,
        %scan3A_389 = arith.constant 6 : i32
        %scan3A_390 = arith.addi %scan3A_332, %scan3A_389 : i32
        %mul3A_391 = arith.constant 16 : i32
        %mul3A_392 = arith.muli %scan3A_390, %mul3A_391 : i32
        %add3A_393 = arith.constant 0 : i32
        %add3A_394 = arith.addi %add3A_393, %mul3A_392 : i32
        %broadcast_in_dim3A_395 = arith.constant 0.000000e+00 : f32
        %broadcast_in_dim3A_396 = vector.broadcast %broadcast_in_dim3A_395 : f32 to vector<16xf32>
        %swap3A_397 = arith.index_cast %add3A_394 : i32 to index
        %swap3A_398 = tpu.vector_load %arg4[%swap3A_397] {strides = array<i32>} : memref<65536xf32, #tpu.memory_space<vmem>>, vector<16xf32>,
        tpu.vector_store %arg4[%swap3A_397], %broadcast_in_dim3A_396 {strides = array<i32>} : memref<65536xf32, #tpu.memory_space<vmem>>, vector<16xf32>,
        %scan3A_399 = arith.constant 7 : i32
        %scan3A_400 = arith.addi %scan3A_332, %scan3A_399 : i32
        %mul3A_401 = arith.constant 16 : i32
        %mul3A_402 = arith.muli %scan3A_400, %mul3A_401 : i32
        %add3A_403 = arith.constant 0 : i32
        %add3A_404 = arith.addi %add3A_403, %mul3A_402 : i32
        %broadcast_in_dim3A_405 = arith.constant 0.000000e+00 : f32
        %broadcast_in_dim3A_406 = vector.broadcast %broadcast_in_dim3A_405 : f32 to vector<16xf32>
        %swap3A_407 = arith.index_cast %add3A_404 : i32 to index
        %swap3A_408 = tpu.vector_load %arg4[%swap3A_407] {strides = array<i32>} : memref<65536xf32, #tpu.memory_space<vmem>>, vector<16xf32>,
        tpu.vector_store %arg4[%swap3A_407], %broadcast_in_dim3A_406 {strides = array<i32>} : memref<65536xf32, #tpu.memory_space<vmem>>, vector<16xf32>,
      }
      %scan3A_242 = arith.constant 4096 : i32
      %mul3A_243 = arith.constant 4088 : i32
      %mul3A_244 = arith.muli %mul3A_243, %select_n3A_141 : i32
      %jit3A_245 = arith.constant 1533 : i32
      %div3A_246 = arith.divsi %mul3A_244, %jit3A_245 : i32
      %sign3A_247 = arith.constant 0 : i32
      %sign3A_248 = arith.cmpi sgt, %mul3A_244, %sign3A_247 : i32
      %sign3A_249 = arith.extui %sign3A_248 : i1 to i32
      %sign3A_250 = arith.constant 0 : i32
      %sign3A_251 = arith.cmpi slt, %mul3A_244, %sign3A_250 : i32
      %sign3A_252 = arith.extui %sign3A_251 : i1 to i32
      %sign3A_253 = arith.subi %sign3A_249, %sign3A_252 : i32
      %sign3A_254 = arith.constant 0 : i32
      %sign3A_255 = arith.cmpi sgt, %jit3A_245, %sign3A_254 : i32
      %sign3A_256 = arith.extui %sign3A_255 : i1 to i32
      %sign3A_257 = arith.constant 0 : i32
      %sign3A_258 = arith.cmpi slt, %jit3A_245, %sign3A_257 : i32
      %sign3A_259 = arith.extui %sign3A_258 : i1 to i32
      %sign3A_260 = arith.subi %sign3A_256, %sign3A_259 : i32
      %ne3A_261 = arith.cmpi ne, %sign3A_253, %sign3A_260 : i32
      %rem3A_262 = arith.remsi %mul3A_244, %jit3A_245 : i32
      %ne3A_263 = arith.constant 0 : i32
      %ne3A_264 = arith.cmpi ne, %rem3A_262, %ne3A_263 : i32
      %and3A_265 = arith.andi %ne3A_261, %ne3A_264 : i1
      %sub3A_266 = arith.constant 1 : i32
      %sub3A_267 = arith.subi %div3A_246, %sub3A_266 : i32
      %select_n3A_268 = arith.select %and3A_265, %sub3A_267, %div3A_246 : i32
      %sub3A_269 = arith.subi %select_n3A_30, %select_n3A_268 : i32
      %mul3A_270 = arith.constant 3 : i32
      %mul3A_271 = arith.muli %mul3A_270, %select_n3A : i32
      %add3A_272 = arith.addi %mul3A_271, %select_n3A_141 : i32
      %mul3A_273 = arith.constant 511 : i32
      %mul3A_274 = arith.muli %select_n3A_141, %mul3A_273 : i32
      %sub3A_275 = arith.subi %select_n3A_84, %mul3A_274 : i32
      %mul3A_276 = arith.constant 262144 : i32
      %mul3A_277 = arith.muli %add3A_272, %mul3A_276 : i32
      %sub3A_278 = arith.constant 0 : i32
      %sub3A_279 = arith.subi %sub3A_275, %sub3A_278 : i32
      %add3A_280 = arith.constant 64 : i32
      %add3A_281 = arith.addi %sub3A_279, %add3A_280 : i32
      %sub3A_282 = arith.constant 1 : i32
      %sub3A_283 = arith.subi %add3A_281, %sub3A_282 : i32
      %jit3A_284 = arith.constant 64 : i32
      %div3A_285 = arith.divsi %sub3A_283, %jit3A_284 : i32
      %sign3A_286 = arith.constant 0 : i32
      %sign3A_287 = arith.cmpi sgt, %sub3A_283, %sign3A_286 : i32
      %sign3A_288 = arith.extui %sign3A_287 : i1 to i32
      %sign3A_289 = arith.constant 0 : i32
      %sign3A_290 = arith.cmpi slt, %sub3A_283, %sign3A_289 : i32
      %sign3A_291 = arith.extui %sign3A_290 : i1 to i32
      %sign3A_292 = arith.subi %sign3A_288, %sign3A_291 : i32
      %sign3A_293 = arith.constant 0 : i32
      %sign3A_294 = arith.cmpi sgt, %jit3A_284, %sign3A_293 : i32
      %sign3A_295 = arith.extui %sign3A_294 : i1 to i32
      %sign3A_296 = arith.constant 0 : i32
      %sign3A_297 = arith.cmpi slt, %jit3A_284, %sign3A_296 : i32
      %sign3A_298 = arith.extui %sign3A_297 : i1 to i32
      %sign3A_299 = arith.subi %sign3A_295, %sign3A_298 : i32
      %ne3A_300 = arith.cmpi ne, %sign3A_292, %sign3A_299 : i32
      %rem3A_301 = arith.remsi %sub3A_283, %jit3A_284 : i32
      %ne3A_302 = arith.constant 0 : i32
      %ne3A_303 = arith.cmpi ne, %rem3A_301, %ne3A_302 : i32
      %and3A_304 = arith.andi %ne3A_300, %ne3A_303 : i1
      %sub3A_305 = arith.constant 1 : i32
      %sub3A_306 = arith.subi %div3A_285, %sub3A_305 : i32
      %select_n3A_307 = arith.select %and3A_304, %sub3A_306, %div3A_285 : i32
      %sub3A_308 = arith.constant 0 : i32
      %sub3A_309 = arith.subi %select_n3A_307, %sub3A_308 : i32
      %sub3A_310 = arith.constant 1 : i32
      %sub3A_311 = arith.constant 1 : i32
      %sub3A_312 = arith.subi %sub3A_310, %sub3A_311 : i32
      %add3A_313 = arith.addi %sub3A_309, %sub3A_312 : i32
      %div3A_314 = arith.constant 1 : i32
      %div3A_315 = arith.divsi %add3A_313, %div3A_314 : i32
      %while3A_316 = arith.constant 1 : i32
      %while3A_317 = arith.constant 0 : i32
      %while3A_318 = arith.constant 0 : i32
      %while3A_319 = arith.subi %div3A_315, %while3A_318 : i32
      %while3A_320 = arith.addi %while3A_318, %while3A_319 : i32
      %while3A_321 = arith.constant 1 : i32
      %while3A_322 = arith.divsi %while3A_319, %while3A_321 : i32
      %while3A_323 = arith.muli %while3A_322, %while3A_321 : i32
      %while3A_324 = arith.addi %while3A_318, %while3A_323 : i32
      %while3A_325 = arith.constant 1 : i32
      scf.for %while3A_332 = %while3A_318 to %while3A_324 step %while3A_325  : i32 {
        %mul3A_333 = arith.muli %while3A_332, %while3A_316 : i32
        %add3A_334 = arith.addi %while3A_317, %mul3A_333 : i32
        %mul3A_335 = arith.constant 64 : i32
        %mul3A_336 = arith.muli %add3A_334, %mul3A_335 : i32
        %add3A_337 = arith.constant 0 : i32
        %add3A_338 = arith.addi %add3A_337, %mul3A_336 : i32
        %add3A_339 = arith.constant 64 : i32
        %add3A_340 = arith.addi %add3A_338, %add3A_339 : i32
        %min3A_341 = arith.minsi %add3A_340, %sub3A_275 : i32
        %sub3A_342 = arith.subi %min3A_341, %add3A_338 : i32
        %min3A_343 = arith.constant 447 : i32
        %min3A_344 = arith.minsi %add3A_338, %min3A_343 : i32
        %sub3A_345 = arith.subi %add3A_338, %min3A_344 : i32
        %mul3A_346 = arith.constant 512 : i32
        %mul3A_347 = arith.muli %min3A_344, %mul3A_346 : i32
        %add3A_348 = arith.addi %mul3A_277, %mul3A_347 : i32
        "tpu.region"() ({
          %run_scoped3A = tpu.sem_alloc : memref<!tpu.dma_semaphore, #tpu.memory_space<semaphore_mem>>
          %dma_start3A = tpu.memref_slice %arg2[%add3A_348] : memref<3145728xf32, #tpu.memory_space<hbm>> -> memref<33280xf32, #tpu.memory_space<hbm>>
          %dma_start3A_354 = tpu.memref_slice %arg2[%add3A_348] : memref<3145728xf32, #tpu.memory_space<hbm>> -> memref<33280xf32, #tpu.memory_space<hbm>>
          tpu.enqueue_dma source(%dma_start3A_354 : memref<33280xf32, #tpu.memory_space<hbm>>) target(%arg5 : memref<33280xf32, #tpu.memory_space<vmem>>) target_semaphore(%run_scoped3A : memref<!tpu.dma_semaphore, #tpu.memory_space<semaphore_mem>>)
          %dma_wait3A = tpu.memref_slice %arg2[%add3A_348] : memref<3145728xf32, #tpu.memory_space<hbm>> -> memref<33280xf32, #tpu.memory_space<hbm>>
          %dma_wait3A_355 = tpu.memref_slice %arg2[%add3A_348] : memref<3145728xf32, #tpu.memory_space<hbm>> -> memref<33280xf32, #tpu.memory_space<hbm>>
          tpu.wait_dma2 semaphore(%run_scoped3A : memref<!tpu.dma_semaphore, #tpu.memory_space<semaphore_mem>>) src(%dma_wait3A_355 : memref<33280xf32, #tpu.memory_space<hbm>>) dst(%arg5 : memref<33280xf32, #tpu.memory_space<vmem>>)
          tpu.yield
        }) : () -> ()
        %scan3A_349 = arith.constant 0 : i32
        %scan3A_350 = arith.constant 32 : i32
        %scan3A_351 = arith.addi %scan3A_349, %scan3A_350 : i32
        %scan3A_352 = arith.constant 1 : i32
        scf.for %scan3A_354 = %scan3A_349 to %scan3A_351 step %scan3A_352  : i32 {
          %mul3A_355 = arith.constant 1 : i32
          %mul3A_356 = arith.muli %scan3A_354, %mul3A_355 : i32
          %add3A_357 = arith.constant 0 : i32
          %add3A_358 = arith.addi %add3A_357, %mul3A_356 : i32
          %mul3A_359 = arith.constant 16 : i32
          %mul3A_360 = arith.muli %add3A_358, %mul3A_359 : i32
          %mul3A_361 = arith.constant 512 : i32
          %mul3A_362 = arith.muli %sub3A_345, %mul3A_361 : i32
          %add3A_363 = arith.addi %mul3A_362, %mul3A_360 : i32
          %get3A = arith.index_cast %add3A_363 : i32 to index
          %get3A_364 = tpu.vector_load %arg5[%get3A] {strides = array<i32>} : memref<33280xf32, #tpu.memory_space<vmem>>, vector<16xf32>,
          %mul3A_365 = arith.constant 2.560000e+02 : f32
          %mul3A_366 = vector.broadcast %mul3A_365 : f32 to vector<16xf32>
          %mul3A_367 = arith.mulf %get3A_364, %mul3A_366 : vector<16xf32>
          %add3A_368 = arith.constant 2.555000e+02 : f32
          %add3A_369 = vector.broadcast %add3A_368 : f32 to vector<16xf32>
          %add3A_370 = arith.addf %mul3A_367, %add3A_369 : vector<16xf32>
          %convert_element_type3A_371 = arith.fptosi %add3A_370 : vector<16xf32> to vector<16xi32>
          %convert_element_type3A_372 = arith.sitofp %convert_element_type3A_371 : vector<16xi32> to vector<16xf32>
          %sub3A_373 = arith.subf %add3A_370, %convert_element_type3A_372 : vector<16xf32>
          %sub3A_374 = arith.constant 256 : i32
          %sub3A_375 = vector.broadcast %sub3A_374 : i32 to vector<16xi32>
          %sub3A_376 = arith.subi %convert_element_type3A_371, %sub3A_375 : vector<16xi32>
          %mul3A_377 = arith.constant 3.14159274 : f32
          %mul3A_378 = vector.broadcast %mul3A_377 : f32 to vector<16xf32>
          %mul3A_379 = arith.mulf %sub3A_373, %mul3A_378 : vector<16xf32>
          %sub3A_380 = arith.constant 1.57079637 : f32
          %sub3A_381 = vector.broadcast %sub3A_380 : f32 to vector<16xf32>
          %sub3A_382 = arith.subf %mul3A_379, %sub3A_381 : vector<16xf32>
          %mul3A_383 = arith.mulf %sub3A_382, %sub3A_382 : vector<16xf32>
          %mul3A_384 = arith.constant 0.00378538459 : f32
          %mul3A_385 = vector.broadcast %mul3A_384 : f32 to vector<16xf32>
          %mul3A_386 = arith.mulf %mul3A_385, %mul3A_383 : vector<16xf32>
          %add3A_387 = arith.constant -0.0829537212 : f32
          %add3A_388 = vector.broadcast %add3A_387 : f32 to vector<16xf32>
          %add3A_389 = arith.addf %add3A_388, %mul3A_386 : vector<16xf32>
          %mul3A_390 = arith.mulf %mul3A_383, %add3A_389 : vector<16xf32>
          %add3A_391 = arith.constant 0.499944717 : f32
          %add3A_392 = vector.broadcast %add3A_391 : f32 to vector<16xf32>
          %add3A_393 = arith.addf %add3A_392, %mul3A_390 : vector<16xf32>
          %mul3A_394 = arith.mulf %sub3A_382, %add3A_393 : vector<16xf32>
          %sub3A_395 = arith.constant 5.000000e-01 : f32
          %sub3A_396 = vector.broadcast %sub3A_395 : f32 to vector<16xf32>
          %sub3A_397 = arith.subf %sub3A_396, %mul3A_394 : vector<16xf32>
          %max3A = arith.constant 0 : i32
          %max3A_398 = vector.broadcast %max3A : i32 to vector<16xi32>
          %max3A_399 = arith.maxsi %sub3A_376, %max3A_398 : vector<16xi32>
          %shift_left3A = arith.constant 8 : i32
          %shift_left3A_400 = vector.broadcast %shift_left3A : i32 to vector<16xi32>
          %shift_left3A_401 = arith.shli %max3A_399, %shift_left3A_400 : vector<16xi32>
          %add3A_402 = arith.constant 1 : i32
          %add3A_403 = vector.broadcast %add3A_402 : i32 to vector<16xi32>
          %add3A_404 = arith.addi %sub3A_376, %add3A_403 : vector<16xi32>
          %min3A_405 = arith.constant 255 : i32
          %min3A_406 = vector.broadcast %min3A_405 : i32 to vector<16xi32>
          %min3A_407 = arith.minsi %add3A_404, %min3A_406 : vector<16xi32>
          %shift_left3A_408 = arith.constant 8 : i32
          %shift_left3A_409 = vector.broadcast %shift_left3A_408 : i32 to vector<16xi32>
          %shift_left3A_410 = arith.shli %min3A_407, %shift_left3A_409 : vector<16xi32>
          %sub3A_411 = arith.constant 1.000000e+00 : f32
          %sub3A_412 = vector.broadcast %sub3A_411 : f32 to vector<16xf32>
          %sub3A_413 = arith.subf %sub3A_412, %sub3A_397 : vector<16xf32>
          %parallel_loop3A = arith.constant 0 : i32
          %parallel_loop3A_414 = arith.constant 64 : i32
          %parallel_loop3A_415 = arith.constant 1 : i32
          %parallel_loop3A_416:4 = scf.for %parallel_loop3A_417 = %parallel_loop3A to %parallel_loop3A_414 step %parallel_loop3A_415 iter_args(%parallel_loop3A_418 = %shift_left3A_401, %parallel_loop3A_419 = %shift_left3A_410, %parallel_loop3A_420 = %sub3A_397, %parallel_loop3A_421 = %sub3A_413) -> (vector<16xi32>, vector<16xi32>, vector<16xf32>, vector<16xf32>)  : i32 {
            %parallel_loop3A_422 = arith.cmpi slt, %parallel_loop3A_417, %sub3A_342 : i32
            %parallel_loop3A_423 = vector.broadcast %parallel_loop3A_422 : i1 to vector<16xi1>
            %parallel_loop3A_424 = arith.constant 1 : i32
            %parallel_loop3A_425 = arith.addi %sub3A_345, %parallel_loop3A_424 : i32
            %parallel_loop3A_426 = arith.addi %parallel_loop3A_425, %parallel_loop3A_417 : i32
            %parallel_loop3A_427 = arith.constant 512 : i32
            %parallel_loop3A_428 = arith.muli %parallel_loop3A_426, %parallel_loop3A_427 : i32
            %parallel_loop3A_429 = arith.addi %parallel_loop3A_428, %mul3A_360 : i32
            %parallel_loop3A_430 = arith.index_cast %parallel_loop3A_429 : i32 to index
            %parallel_loop3A_431 = tpu.vector_load %arg5[%parallel_loop3A_430] {strides = array<i32>} : memref<33280xf32, #tpu.memory_space<vmem>>, vector<16xf32>,
            %parallel_loop3A_432 = arith.constant 2.560000e+02 : f32
            %parallel_loop3A_433 = vector.broadcast %parallel_loop3A_432 : f32 to vector<16xf32>
            %parallel_loop3A_434 = arith.mulf %parallel_loop3A_431, %parallel_loop3A_433 : vector<16xf32>
            %parallel_loop3A_435 = arith.constant 2.555000e+02 : f32
            %parallel_loop3A_436 = vector.broadcast %parallel_loop3A_435 : f32 to vector<16xf32>
            %parallel_loop3A_437 = arith.addf %parallel_loop3A_434, %parallel_loop3A_436 : vector<16xf32>
            %parallel_loop3A_438 = arith.fptosi %parallel_loop3A_437 : vector<16xf32> to vector<16xi32>
            %parallel_loop3A_439 = arith.sitofp %parallel_loop3A_438 : vector<16xi32> to vector<16xf32>
            %parallel_loop3A_440 = arith.subf %parallel_loop3A_437, %parallel_loop3A_439 : vector<16xf32>
            %parallel_loop3A_441 = arith.constant 256 : i32
            %parallel_loop3A_442 = vector.broadcast %parallel_loop3A_441 : i32 to vector<16xi32>
            %parallel_loop3A_443 = arith.subi %parallel_loop3A_438, %parallel_loop3A_442 : vector<16xi32>
            %parallel_loop3A_444 = arith.constant 3.14159274 : f32
            %parallel_loop3A_445 = vector.broadcast %parallel_loop3A_444 : f32 to vector<16xf32>
            %parallel_loop3A_446 = arith.mulf %parallel_loop3A_440, %parallel_loop3A_445 : vector<16xf32>
            %parallel_loop3A_447 = arith.constant 1.57079637 : f32
            %parallel_loop3A_448 = vector.broadcast %parallel_loop3A_447 : f32 to vector<16xf32>
            %parallel_loop3A_449 = arith.subf %parallel_loop3A_446, %parallel_loop3A_448 : vector<16xf32>
            %parallel_loop3A_450 = arith.mulf %parallel_loop3A_449, %parallel_loop3A_449 : vector<16xf32>
            %parallel_loop3A_451 = arith.constant 0.00378538459 : f32
            %parallel_loop3A_452 = vector.broadcast %parallel_loop3A_451 : f32 to vector<16xf32>
            %parallel_loop3A_453 = arith.mulf %parallel_loop3A_452, %parallel_loop3A_450 : vector<16xf32>
            %parallel_loop3A_454 = arith.constant -0.0829537212 : f32
            %parallel_loop3A_455 = vector.broadcast %parallel_loop3A_454 : f32 to vector<16xf32>
            %parallel_loop3A_456 = arith.addf %parallel_loop3A_455, %parallel_loop3A_453 : vector<16xf32>
            %parallel_loop3A_457 = arith.mulf %parallel_loop3A_450, %parallel_loop3A_456 : vector<16xf32>
            %parallel_loop3A_458 = arith.constant 0.499944717 : f32
            %parallel_loop3A_459 = vector.broadcast %parallel_loop3A_458 : f32 to vector<16xf32>
            %parallel_loop3A_460 = arith.addf %parallel_loop3A_459, %parallel_loop3A_457 : vector<16xf32>
            %parallel_loop3A_461 = arith.mulf %parallel_loop3A_449, %parallel_loop3A_460 : vector<16xf32>
            %parallel_loop3A_462 = arith.constant 5.000000e-01 : f32
            %parallel_loop3A_463 = vector.broadcast %parallel_loop3A_462 : f32 to vector<16xf32>
            %parallel_loop3A_464 = arith.subf %parallel_loop3A_463, %parallel_loop3A_461 : vector<16xf32>
            %parallel_loop3A_465 = arith.constant 1.000000e+00 : f32
            %parallel_loop3A_466 = vector.broadcast %parallel_loop3A_465 : f32 to vector<16xf32>
            %parallel_loop3A_467 = arith.subf %parallel_loop3A_466, %parallel_loop3A_464 : vector<16xf32>
            %parallel_loop3A_468 = arith.constant 0 : i32
            %parallel_loop3A_469 = vector.broadcast %parallel_loop3A_468 : i32 to vector<16xi32>
            %parallel_loop3A_470 = arith.maxsi %parallel_loop3A_443, %parallel_loop3A_469 : vector<16xi32>
            %parallel_loop3A_471 = arith.constant 1 : i32
            %parallel_loop3A_472 = vector.broadcast %parallel_loop3A_471 : i32 to vector<16xi32>
            %parallel_loop3A_473 = arith.addi %parallel_loop3A_443, %parallel_loop3A_472 : vector<16xi32>
            %parallel_loop3A_474 = arith.constant 255 : i32
            %parallel_loop3A_475 = vector.broadcast %parallel_loop3A_474 : i32 to vector<16xi32>
            %parallel_loop3A_476 = arith.minsi %parallel_loop3A_473, %parallel_loop3A_475 : vector<16xi32>
            %parallel_loop3A_477 = arith.addi %parallel_loop3A_418, %parallel_loop3A_470 : vector<16xi32>
            %parallel_loop3A_478 = arith.mulf %parallel_loop3A_420, %parallel_loop3A_464 : vector<16xf32>
            tpu.vector_store_idx %arg4[%parallel_loop3A_477], %parallel_loop3A_478 masked %parallel_loop3A_423 {add = true} : memref<65536xf32, #tpu.memory_space<vmem>>[vector<16xi32>], vector<16xf32>, vector<16xi1>
            %parallel_loop3A_479 = arith.addi %parallel_loop3A_418, %parallel_loop3A_476 : vector<16xi32>
            %parallel_loop3A_480 = arith.mulf %parallel_loop3A_420, %parallel_loop3A_467 : vector<16xf32>
            tpu.vector_store_idx %arg4[%parallel_loop3A_479], %parallel_loop3A_480 masked %parallel_loop3A_423 {add = true} : memref<65536xf32, #tpu.memory_space<vmem>>[vector<16xi32>], vector<16xf32>, vector<16xi1>
            %parallel_loop3A_481 = arith.addi %parallel_loop3A_419, %parallel_loop3A_470 : vector<16xi32>
            %parallel_loop3A_482 = arith.mulf %parallel_loop3A_421, %parallel_loop3A_464 : vector<16xf32>
            tpu.vector_store_idx %arg4[%parallel_loop3A_481], %parallel_loop3A_482 masked %parallel_loop3A_423 {add = true} : memref<65536xf32, #tpu.memory_space<vmem>>[vector<16xi32>], vector<16xf32>, vector<16xi1>
            %parallel_loop3A_483 = arith.addi %parallel_loop3A_419, %parallel_loop3A_476 : vector<16xi32>
            %parallel_loop3A_484 = arith.mulf %parallel_loop3A_421, %parallel_loop3A_467 : vector<16xf32>
            tpu.vector_store_idx %arg4[%parallel_loop3A_483], %parallel_loop3A_484 masked %parallel_loop3A_423 {add = true} : memref<65536xf32, #tpu.memory_space<vmem>>[vector<16xi32>], vector<16xf32>, vector<16xi1>
            %parallel_loop3A_485 = arith.constant 8 : i32
            %parallel_loop3A_486 = vector.broadcast %parallel_loop3A_485 : i32 to vector<16xi32>
            %parallel_loop3A_487 = arith.shli %parallel_loop3A_470, %parallel_loop3A_486 : vector<16xi32>
            %parallel_loop3A_488 = arith.constant 8 : i32
            %parallel_loop3A_489 = vector.broadcast %parallel_loop3A_488 : i32 to vector<16xi32>
            %parallel_loop3A_490 = arith.shli %parallel_loop3A_476, %parallel_loop3A_489 : vector<16xi32>
            scf.yield %parallel_loop3A_487, %parallel_loop3A_490, %parallel_loop3A_464, %parallel_loop3A_467 : vector<16xi32>, vector<16xi32>, vector<16xf32>, vector<16xf32>
          } {sc.loop_unroll_factor = 4 : i64, sc.parallel_access}
        }
        %scan3A_353 = arith.constant 32 : i32
      }
      %while3A_326 = arith.constant 1 : i32
      scf.for %while3A_332 = %while3A_324 to %while3A_320 step %while3A_326  : i32 {
        %mul3A_333 = arith.muli %while3A_332, %while3A_316 : i32
        %add3A_334 = arith.addi %while3A_317, %mul3A_333 : i32
        %mul3A_335 = arith.constant 64 : i32
        %mul3A_336 = arith.muli %add3A_334, %mul3A_335 : i32
        %add3A_337 = arith.constant 0 : i32
        %add3A_338 = arith.addi %add3A_337, %mul3A_336 : i32
        %add3A_339 = arith.constant 64 : i32
        %add3A_340 = arith.addi %add3A_338, %add3A_339 : i32
        %min3A_341 = arith.minsi %add3A_340, %sub3A_275 : i32
        %sub3A_342 = arith.subi %min3A_341, %add3A_338 : i32
        %min3A_343 = arith.constant 447 : i32
        %min3A_344 = arith.minsi %add3A_338, %min3A_343 : i32
        %sub3A_345 = arith.subi %add3A_338, %min3A_344 : i32
        %mul3A_346 = arith.constant 512 : i32
        %mul3A_347 = arith.muli %min3A_344, %mul3A_346 : i32
        %add3A_348 = arith.addi %mul3A_277, %mul3A_347 : i32
        "tpu.region"() ({
          %run_scoped3A = tpu.sem_alloc : memref<!tpu.dma_semaphore, #tpu.memory_space<semaphore_mem>>
          %dma_start3A = tpu.memref_slice %arg2[%add3A_348] : memref<3145728xf32, #tpu.memory_space<hbm>> -> memref<33280xf32, #tpu.memory_space<hbm>>
          %dma_start3A_354 = tpu.memref_slice %arg2[%add3A_348] : memref<3145728xf32, #tpu.memory_space<hbm>> -> memref<33280xf32, #tpu.memory_space<hbm>>
          tpu.enqueue_dma source(%dma_start3A_354 : memref<33280xf32, #tpu.memory_space<hbm>>) target(%arg5 : memref<33280xf32, #tpu.memory_space<vmem>>) target_semaphore(%run_scoped3A : memref<!tpu.dma_semaphore, #tpu.memory_space<semaphore_mem>>)
          %dma_wait3A = tpu.memref_slice %arg2[%add3A_348] : memref<3145728xf32, #tpu.memory_space<hbm>> -> memref<33280xf32, #tpu.memory_space<hbm>>
          %dma_wait3A_355 = tpu.memref_slice %arg2[%add3A_348] : memref<3145728xf32, #tpu.memory_space<hbm>> -> memref<33280xf32, #tpu.memory_space<hbm>>
          tpu.wait_dma2 semaphore(%run_scoped3A : memref<!tpu.dma_semaphore, #tpu.memory_space<semaphore_mem>>) src(%dma_wait3A_355 : memref<33280xf32, #tpu.memory_space<hbm>>) dst(%arg5 : memref<33280xf32, #tpu.memory_space<vmem>>)
          tpu.yield
        }) : () -> ()
        %scan3A_349 = arith.constant 0 : i32
        %scan3A_350 = arith.constant 32 : i32
        %scan3A_351 = arith.addi %scan3A_349, %scan3A_350 : i32
        %scan3A_352 = arith.constant 1 : i32
        scf.for %scan3A_354 = %scan3A_349 to %scan3A_351 step %scan3A_352  : i32 {
          %mul3A_355 = arith.constant 1 : i32
          %mul3A_356 = arith.muli %scan3A_354, %mul3A_355 : i32
          %add3A_357 = arith.constant 0 : i32
          %add3A_358 = arith.addi %add3A_357, %mul3A_356 : i32
          %mul3A_359 = arith.constant 16 : i32
          %mul3A_360 = arith.muli %add3A_358, %mul3A_359 : i32
          %mul3A_361 = arith.constant 512 : i32
          %mul3A_362 = arith.muli %sub3A_345, %mul3A_361 : i32
          %add3A_363 = arith.addi %mul3A_362, %mul3A_360 : i32
          %get3A = arith.index_cast %add3A_363 : i32 to index
          %get3A_364 = tpu.vector_load %arg5[%get3A] {strides = array<i32>} : memref<33280xf32, #tpu.memory_space<vmem>>, vector<16xf32>,
          %mul3A_365 = arith.constant 2.560000e+02 : f32
          %mul3A_366 = vector.broadcast %mul3A_365 : f32 to vector<16xf32>
          %mul3A_367 = arith.mulf %get3A_364, %mul3A_366 : vector<16xf32>
          %add3A_368 = arith.constant 2.555000e+02 : f32
          %add3A_369 = vector.broadcast %add3A_368 : f32 to vector<16xf32>
          %add3A_370 = arith.addf %mul3A_367, %add3A_369 : vector<16xf32>
          %convert_element_type3A_371 = arith.fptosi %add3A_370 : vector<16xf32> to vector<16xi32>
          %convert_element_type3A_372 = arith.sitofp %convert_element_type3A_371 : vector<16xi32> to vector<16xf32>
          %sub3A_373 = arith.subf %add3A_370, %convert_element_type3A_372 : vector<16xf32>
          %sub3A_374 = arith.constant 256 : i32
          %sub3A_375 = vector.broadcast %sub3A_374 : i32 to vector<16xi32>
          %sub3A_376 = arith.subi %convert_element_type3A_371, %sub3A_375 : vector<16xi32>
          %mul3A_377 = arith.constant 3.14159274 : f32
          %mul3A_378 = vector.broadcast %mul3A_377 : f32 to vector<16xf32>
          %mul3A_379 = arith.mulf %sub3A_373, %mul3A_378 : vector<16xf32>
          %sub3A_380 = arith.constant 1.57079637 : f32
          %sub3A_381 = vector.broadcast %sub3A_380 : f32 to vector<16xf32>
          %sub3A_382 = arith.subf %mul3A_379, %sub3A_381 : vector<16xf32>
          %mul3A_383 = arith.mulf %sub3A_382, %sub3A_382 : vector<16xf32>
          %mul3A_384 = arith.constant 0.00378538459 : f32
          %mul3A_385 = vector.broadcast %mul3A_384 : f32 to vector<16xf32>
          %mul3A_386 = arith.mulf %mul3A_385, %mul3A_383 : vector<16xf32>
          %add3A_387 = arith.constant -0.0829537212 : f32
          %add3A_388 = vector.broadcast %add3A_387 : f32 to vector<16xf32>
          %add3A_389 = arith.addf %add3A_388, %mul3A_386 : vector<16xf32>
          %mul3A_390 = arith.mulf %mul3A_383, %add3A_389 : vector<16xf32>
          %add3A_391 = arith.constant 0.499944717 : f32
          %add3A_392 = vector.broadcast %add3A_391 : f32 to vector<16xf32>
          %add3A_393 = arith.addf %add3A_392, %mul3A_390 : vector<16xf32>
          %mul3A_394 = arith.mulf %sub3A_382, %add3A_393 : vector<16xf32>
          %sub3A_395 = arith.constant 5.000000e-01 : f32
          %sub3A_396 = vector.broadcast %sub3A_395 : f32 to vector<16xf32>
          %sub3A_397 = arith.subf %sub3A_396, %mul3A_394 : vector<16xf32>
          %max3A = arith.constant 0 : i32
          %max3A_398 = vector.broadcast %max3A : i32 to vector<16xi32>
          %max3A_399 = arith.maxsi %sub3A_376, %max3A_398 : vector<16xi32>
          %shift_left3A = arith.constant 8 : i32
          %shift_left3A_400 = vector.broadcast %shift_left3A : i32 to vector<16xi32>
          %shift_left3A_401 = arith.shli %max3A_399, %shift_left3A_400 : vector<16xi32>
          %add3A_402 = arith.constant 1 : i32
          %add3A_403 = vector.broadcast %add3A_402 : i32 to vector<16xi32>
          %add3A_404 = arith.addi %sub3A_376, %add3A_403 : vector<16xi32>
          %min3A_405 = arith.constant 255 : i32
          %min3A_406 = vector.broadcast %min3A_405 : i32 to vector<16xi32>
          %min3A_407 = arith.minsi %add3A_404, %min3A_406 : vector<16xi32>
          %shift_left3A_408 = arith.constant 8 : i32
          %shift_left3A_409 = vector.broadcast %shift_left3A_408 : i32 to vector<16xi32>
          %shift_left3A_410 = arith.shli %min3A_407, %shift_left3A_409 : vector<16xi32>
          %sub3A_411 = arith.constant 1.000000e+00 : f32
          %sub3A_412 = vector.broadcast %sub3A_411 : f32 to vector<16xf32>
          %sub3A_413 = arith.subf %sub3A_412, %sub3A_397 : vector<16xf32>
          %parallel_loop3A = arith.constant 0 : i32
          %parallel_loop3A_414 = arith.constant 64 : i32
          %parallel_loop3A_415 = arith.constant 1 : i32
          %parallel_loop3A_416:4 = scf.for %parallel_loop3A_417 = %parallel_loop3A to %parallel_loop3A_414 step %parallel_loop3A_415 iter_args(%parallel_loop3A_418 = %shift_left3A_401, %parallel_loop3A_419 = %shift_left3A_410, %parallel_loop3A_420 = %sub3A_397, %parallel_loop3A_421 = %sub3A_413) -> (vector<16xi32>, vector<16xi32>, vector<16xf32>, vector<16xf32>)  : i32 {
            %parallel_loop3A_422 = arith.cmpi slt, %parallel_loop3A_417, %sub3A_342 : i32
            %parallel_loop3A_423 = vector.broadcast %parallel_loop3A_422 : i1 to vector<16xi1>
            %parallel_loop3A_424 = arith.constant 1 : i32
            %parallel_loop3A_425 = arith.addi %sub3A_345, %parallel_loop3A_424 : i32
            %parallel_loop3A_426 = arith.addi %parallel_loop3A_425, %parallel_loop3A_417 : i32
            %parallel_loop3A_427 = arith.constant 512 : i32
            %parallel_loop3A_428 = arith.muli %parallel_loop3A_426, %parallel_loop3A_427 : i32
            %parallel_loop3A_429 = arith.addi %parallel_loop3A_428, %mul3A_360 : i32
            %parallel_loop3A_430 = arith.index_cast %parallel_loop3A_429 : i32 to index
            %parallel_loop3A_431 = tpu.vector_load %arg5[%parallel_loop3A_430] {strides = array<i32>} : memref<33280xf32, #tpu.memory_space<vmem>>, vector<16xf32>,
            %parallel_loop3A_432 = arith.constant 2.560000e+02 : f32
            %parallel_loop3A_433 = vector.broadcast %parallel_loop3A_432 : f32 to vector<16xf32>
            %parallel_loop3A_434 = arith.mulf %parallel_loop3A_431, %parallel_loop3A_433 : vector<16xf32>
            %parallel_loop3A_435 = arith.constant 2.555000e+02 : f32
            %parallel_loop3A_436 = vector.broadcast %parallel_loop3A_435 : f32 to vector<16xf32>
            %parallel_loop3A_437 = arith.addf %parallel_loop3A_434, %parallel_loop3A_436 : vector<16xf32>
            %parallel_loop3A_438 = arith.fptosi %parallel_loop3A_437 : vector<16xf32> to vector<16xi32>
            %parallel_loop3A_439 = arith.sitofp %parallel_loop3A_438 : vector<16xi32> to vector<16xf32>
            %parallel_loop3A_440 = arith.subf %parallel_loop3A_437, %parallel_loop3A_439 : vector<16xf32>
            %parallel_loop3A_441 = arith.constant 256 : i32
            %parallel_loop3A_442 = vector.broadcast %parallel_loop3A_441 : i32 to vector<16xi32>
            %parallel_loop3A_443 = arith.subi %parallel_loop3A_438, %parallel_loop3A_442 : vector<16xi32>
            %parallel_loop3A_444 = arith.constant 3.14159274 : f32
            %parallel_loop3A_445 = vector.broadcast %parallel_loop3A_444 : f32 to vector<16xf32>
            %parallel_loop3A_446 = arith.mulf %parallel_loop3A_440, %parallel_loop3A_445 : vector<16xf32>
            %parallel_loop3A_447 = arith.constant 1.57079637 : f32
            %parallel_loop3A_448 = vector.broadcast %parallel_loop3A_447 : f32 to vector<16xf32>
            %parallel_loop3A_449 = arith.subf %parallel_loop3A_446, %parallel_loop3A_448 : vector<16xf32>
            %parallel_loop3A_450 = arith.mulf %parallel_loop3A_449, %parallel_loop3A_449 : vector<16xf32>
            %parallel_loop3A_451 = arith.constant 0.00378538459 : f32
            %parallel_loop3A_452 = vector.broadcast %parallel_loop3A_451 : f32 to vector<16xf32>
            %parallel_loop3A_453 = arith.mulf %parallel_loop3A_452, %parallel_loop3A_450 : vector<16xf32>
            %parallel_loop3A_454 = arith.constant -0.0829537212 : f32
            %parallel_loop3A_455 = vector.broadcast %parallel_loop3A_454 : f32 to vector<16xf32>
            %parallel_loop3A_456 = arith.addf %parallel_loop3A_455, %parallel_loop3A_453 : vector<16xf32>
            %parallel_loop3A_457 = arith.mulf %parallel_loop3A_450, %parallel_loop3A_456 : vector<16xf32>
            %parallel_loop3A_458 = arith.constant 0.499944717 : f32
            %parallel_loop3A_459 = vector.broadcast %parallel_loop3A_458 : f32 to vector<16xf32>
            %parallel_loop3A_460 = arith.addf %parallel_loop3A_459, %parallel_loop3A_457 : vector<16xf32>
            %parallel_loop3A_461 = arith.mulf %parallel_loop3A_449, %parallel_loop3A_460 : vector<16xf32>
            %parallel_loop3A_462 = arith.constant 5.000000e-01 : f32
            %parallel_loop3A_463 = vector.broadcast %parallel_loop3A_462 : f32 to vector<16xf32>
            %parallel_loop3A_464 = arith.subf %parallel_loop3A_463, %parallel_loop3A_461 : vector<16xf32>
            %parallel_loop3A_465 = arith.constant 1.000000e+00 : f32
            %parallel_loop3A_466 = vector.broadcast %parallel_loop3A_465 : f32 to vector<16xf32>
            %parallel_loop3A_467 = arith.subf %parallel_loop3A_466, %parallel_loop3A_464 : vector<16xf32>
            %parallel_loop3A_468 = arith.constant 0 : i32
            %parallel_loop3A_469 = vector.broadcast %parallel_loop3A_468 : i32 to vector<16xi32>
            %parallel_loop3A_470 = arith.maxsi %parallel_loop3A_443, %parallel_loop3A_469 : vector<16xi32>
            %parallel_loop3A_471 = arith.constant 1 : i32
            %parallel_loop3A_472 = vector.broadcast %parallel_loop3A_471 : i32 to vector<16xi32>
            %parallel_loop3A_473 = arith.addi %parallel_loop3A_443, %parallel_loop3A_472 : vector<16xi32>
            %parallel_loop3A_474 = arith.constant 255 : i32
            %parallel_loop3A_475 = vector.broadcast %parallel_loop3A_474 : i32 to vector<16xi32>
            %parallel_loop3A_476 = arith.minsi %parallel_loop3A_473, %parallel_loop3A_475 : vector<16xi32>
            %parallel_loop3A_477 = arith.addi %parallel_loop3A_418, %parallel_loop3A_470 : vector<16xi32>
            %parallel_loop3A_478 = arith.mulf %parallel_loop3A_420, %parallel_loop3A_464 : vector<16xf32>
            tpu.vector_store_idx %arg4[%parallel_loop3A_477], %parallel_loop3A_478 masked %parallel_loop3A_423 {add = true} : memref<65536xf32, #tpu.memory_space<vmem>>[vector<16xi32>], vector<16xf32>, vector<16xi1>
            %parallel_loop3A_479 = arith.addi %parallel_loop3A_418, %parallel_loop3A_476 : vector<16xi32>
            %parallel_loop3A_480 = arith.mulf %parallel_loop3A_420, %parallel_loop3A_467 : vector<16xf32>
            tpu.vector_store_idx %arg4[%parallel_loop3A_479], %parallel_loop3A_480 masked %parallel_loop3A_423 {add = true} : memref<65536xf32, #tpu.memory_space<vmem>>[vector<16xi32>], vector<16xf32>, vector<16xi1>
            %parallel_loop3A_481 = arith.addi %parallel_loop3A_419, %parallel_loop3A_470 : vector<16xi32>
            %parallel_loop3A_482 = arith.mulf %parallel_loop3A_421, %parallel_loop3A_464 : vector<16xf32>
            tpu.vector_store_idx %arg4[%parallel_loop3A_481], %parallel_loop3A_482 masked %parallel_loop3A_423 {add = true} : memref<65536xf32, #tpu.memory_space<vmem>>[vector<16xi32>], vector<16xf32>, vector<16xi1>
            %parallel_loop3A_483 = arith.addi %parallel_loop3A_419, %parallel_loop3A_476 : vector<16xi32>
            %parallel_loop3A_484 = arith.mulf %parallel_loop3A_421, %parallel_loop3A_467 : vector<16xf32>
            tpu.vector_store_idx %arg4[%parallel_loop3A_483], %parallel_loop3A_484 masked %parallel_loop3A_423 {add = true} : memref<65536xf32, #tpu.memory_space<vmem>>[vector<16xi32>], vector<16xf32>, vector<16xi1>
            %parallel_loop3A_485 = arith.constant 8 : i32
            %parallel_loop3A_486 = vector.broadcast %parallel_loop3A_485 : i32 to vector<16xi32>
            %parallel_loop3A_487 = arith.shli %parallel_loop3A_470, %parallel_loop3A_486 : vector<16xi32>
            %parallel_loop3A_488 = arith.constant 8 : i32
            %parallel_loop3A_489 = vector.broadcast %parallel_loop3A_488 : i32 to vector<16xi32>
            %parallel_loop3A_490 = arith.shli %parallel_loop3A_476, %parallel_loop3A_489 : vector<16xi32>
            scf.yield %parallel_loop3A_487, %parallel_loop3A_490, %parallel_loop3A_464, %parallel_loop3A_467 : vector<16xi32>, vector<16xi32>, vector<16xf32>, vector<16xf32>
          } {sc.loop_unroll_factor = 4 : i64, sc.parallel_access}
        }
        %scan3A_353 = arith.constant 32 : i32
      }
      %mul3A_327 = arith.constant 4 : i32
      %mul3A_328 = arith.muli %add3A_272, %mul3A_327 : i32
      %add3A_329 = arith.addi %mul3A_328, %sub3A_269 : i32
      %mul3A_330 = arith.constant 65536 : i32
      %mul3A_331 = arith.muli %add3A_329, %mul3A_330 : i32
      "tpu.region"() ({
        %run_scoped3A = tpu.sem_alloc : memref<!tpu.dma_semaphore, #tpu.memory_space<semaphore_mem>>
        %dma_start3A = tpu.memref_slice %arg3[%mul3A_331] : memref<3145728xf32, #tpu.memory_space<hbm>> -> memref<65536xf32, #tpu.memory_space<hbm>>
        %dma_start3A_332 = tpu.memref_slice %arg3[%mul3A_331] : memref<3145728xf32, #tpu.memory_space<hbm>> -> memref<65536xf32, #tpu.memory_space<hbm>>
        tpu.enqueue_dma source(%arg4 : memref<65536xf32, #tpu.memory_space<vmem>>) target(%dma_start3A_332 : memref<65536xf32, #tpu.memory_space<hbm>>) target_semaphore(%run_scoped3A : memref<!tpu.dma_semaphore, #tpu.memory_space<semaphore_mem>>)
        %dma_wait3A = tpu.memref_slice %arg3[%mul3A_331] : memref<3145728xf32, #tpu.memory_space<hbm>> -> memref<65536xf32, #tpu.memory_space<hbm>>
        %dma_wait3A_333 = tpu.memref_slice %arg3[%mul3A_331] : memref<3145728xf32, #tpu.memory_space<hbm>> -> memref<65536xf32, #tpu.memory_space<hbm>>
        tpu.wait_dma2 semaphore(%run_scoped3A : memref<!tpu.dma_semaphore, #tpu.memory_space<semaphore_mem>>) src(%arg4 : memref<65536xf32, #tpu.memory_space<vmem>>) dst(%dma_wait3A_333 : memref<65536xf32, #tpu.memory_space<hbm>>)
        tpu.yield
      }) : () -> ()
    } else {
    }
    return
  }
}

module attributes {stable_mosaic.version = 14 : i64} {
  func.func @_merge_body(%arg0: i32, %arg1: memref<1x4x65536xf32, #tpu.memory_space<vmem>>, %arg2: memref<1x1x65536xf32, #tpu.memory_space<vmem>>) attributes {dimension_semantics = [#tpu.dimension_semantics<arbitrary>], iteration_bounds = array<i64: 12>, scalar_prefetch = 0 : i64, scratch_operands = 0 : i64, tpu.core_type = #tpu.core_type<tc>, window_params = [{transform_indices = @transform_0, window_bounds = array<i64: 1, 4, 65536>}, {transform_indices = @transform_1, window_bounds = array<i64: 1, 1, 65536>}]} {
    %get3A = arith.constant 0 : index
    %get3A_0 = arith.constant 0 : index
    %get3A_1 = arith.constant 0 : index
    %get3A_2 = vector.load %arg1[%get3A, %get3A_0, %get3A_1] : memref<1x4x65536xf32, #tpu.memory_space<vmem>>, vector<1x1x65536xf32>
    %get3A_3 = vector.shape_cast %get3A_2 : vector<1x1x65536xf32> to vector<1x65536xf32>
    %get3A_4 = arith.constant 0 : index
    %get3A_5 = arith.constant 1 : index
    %get3A_6 = arith.constant 0 : index
    %get3A_7 = vector.load %arg1[%get3A_4, %get3A_5, %get3A_6] : memref<1x4x65536xf32, #tpu.memory_space<vmem>>, vector<1x1x65536xf32>
    %get3A_8 = vector.shape_cast %get3A_7 : vector<1x1x65536xf32> to vector<1x65536xf32>
    %add3A = arith.addf %get3A_3, %get3A_8 : vector<1x65536xf32>
    %get3A_9 = arith.constant 0 : index
    %get3A_10 = arith.constant 2 : index
    %get3A_11 = arith.constant 0 : index
    %get3A_12 = vector.load %arg1[%get3A_9, %get3A_10, %get3A_11] : memref<1x4x65536xf32, #tpu.memory_space<vmem>>, vector<1x1x65536xf32>
    %get3A_13 = vector.shape_cast %get3A_12 : vector<1x1x65536xf32> to vector<1x65536xf32>
    %add3A_14 = arith.addf %add3A, %get3A_13 : vector<1x65536xf32>
    %get3A_15 = arith.constant 0 : index
    %get3A_16 = arith.constant 3 : index
    %get3A_17 = arith.constant 0 : index
    %get3A_18 = vector.load %arg1[%get3A_15, %get3A_16, %get3A_17] : memref<1x4x65536xf32, #tpu.memory_space<vmem>>, vector<1x1x65536xf32>
    %get3A_19 = vector.shape_cast %get3A_18 : vector<1x1x65536xf32> to vector<1x65536xf32>
    %add3A_20 = arith.addf %add3A_14, %get3A_19 : vector<1x65536xf32>
    %reduce_max3A = vector.shape_cast %add3A_20 : vector<1x65536xf32> to vector<1x1x65536xf32>
    %reduce_max3A_21 = arith.constant dense<0xFF800000> : vector<1xf32>
    %reduce_max3A_22 = vector.multi_reduction <maximumf>, %reduce_max3A, %reduce_max3A_21 [1, 2] : vector<1x1x65536xf32> to vector<1xf32>
    %reduce_max3A_23 = vector.shape_cast %reduce_max3A_22 : vector<1xf32> to vector<1x1x1xf32>
    %reduce_max3A_24 = vector.extract %reduce_max3A_23[0, 0, 0] : f32 from vector<1x1x1xf32>
    %div3A = vector.broadcast %reduce_max3A_24 : f32 to vector<1x65536xf32>
    %div3A_25 = arith.divf %add3A_20, %div3A : vector<1x65536xf32>
    %swap3A = arith.constant 0 : index
    %swap3A_26 = arith.constant 0 : index
    %swap3A_27 = arith.constant 0 : index
    %swap3A_28 = vector.load %arg2[%swap3A, %swap3A_26, %swap3A_27] : memref<1x1x65536xf32, #tpu.memory_space<vmem>>, vector<1x1x65536xf32>
    %swap3A_29 = vector.shape_cast %swap3A_28 : vector<1x1x65536xf32> to vector<1x65536xf32>
    %swap3A_30 = vector.shape_cast %div3A_25 : vector<1x65536xf32> to vector<1x1x65536xf32>
    tpu.vector_store %arg2[%swap3A, %swap3A_26, %swap3A_27], %swap3A_30 {strides = array<i32>} : memref<1x1x65536xf32, #tpu.memory_space<vmem>>, vector<1x1x65536xf32>,
    return
  }
  func.func @transform_0(%arg0: i32) -> (i32, i32, i32) {
    %c0_i32 = arith.constant 0 : i32
    %c0_i32_0 = arith.constant 0 : i32
    %c0_i32_1 = arith.constant 0 : i32
    return %arg0, %c0_i32, %c0_i32_0 : i32, i32, i32
  }
  func.func @transform_1(%arg0: i32) -> (i32, i32, i32) {
    %c0_i32 = arith.constant 0 : i32
    %c0_i32_0 = arith.constant 0 : i32
    %c0_i32_1 = arith.constant 0 : i32
    return %arg0, %c0_i32, %c0_i32_0 : i32, i32, i32
  }
}

</mosaic_0001>

<sc_bundles>
// kernel: kernel.4.cloned.1.call-start
scs
__scs_entry_jumppad:
0x0: {  	(pc) =	sbr.rel $0x88, $3  }
0x1: {  	(tag) =	ssettag $0x0;
	lr =	simm.s32 $0x1  }
0x2: {  	[smem:$0x3FA0] =	sst lr;
	_ =	strace $0xD0000000  }
0x3: {  	_ = 	snop  }
0x4: {  	_ = 	snop  }
0x5: {  	_ = 	snop  }
0x6: {  	_ = 	snop  }
0x7: {  	_ = 	snop  }
__scs_overlays_trampoline_lowered:
0x8: {  	[smem:$0x3FAF] =	sst s0  }
0x9: {  	[smem:$0x3FB0] =	sst s1  }
0xa: {  	[smem:$0x3FB1] =	sst s2  }
0xb: {  	[smem:$0x3FB2] =	sst s3  }
0xc: {  	[smem:$0x3FB3] =	sst s4  }
0xd: {  	[smem:$0x3FB4] =	sst s5  }
0xe: {  	[smem:$0x3FB5] =	sst s6  }
0xf: {  	[smem:$0x3FB6] =	sst s7  }
0x10: {  	[smem:$0x3FB7] =	sst s8  }
0x11: {  	[smem:$0x3FB8] =	sst s9;
	s0 =	simm.s32 @!p0 $0x0  }
0x12: {  	s1 =	sld [smem:$0x3F9E];
	s0 =	simm.s32 @p0 $0x1  }
0x13: {  	[smem:$0x3FB9] =	sst s0;
	s0 =	simm.s32 @!p1 $0x0  }
0x14: {  	s2 =	sld [smem:$0x3F9D];
	s0 =	simm.s32 @p1 $0x1  }
0x15: {  	[smem:$0x3FBA] =	sst s0;
	s0 =	simm.s32 @!p2 $0x0  }
0x16: {  	s3 =	sld [smem:$0x3FDB];
	s0 =	simm.s32 @p2 $0x1  }
0x17: {  	s4 =	simm.s32 $0x1BF5;
	[smem:$0x3FBC] =	sst s0  }
0x18: {  	s0 =	sld [smem:$0x3F9F];
	_ =	swait.ge [sflag:s4], $0x0  }
0x19: {  	s7 =	sld [smem:$0x3FA0]  }
0x1a: {  	s8 =	sadd.s32 $0xFFFFE003, lr  }
0x1b: {  	s9 =	sadd.s32 $0xFFFFFEF7, lr;
	s5 =	simm.s32 $0xFFFFFFFF;
	p2 =	slt.u32 s8, $0xFFFFF086  }
0x1c: {  	p1 =	slt.u32 s9, $0xF7A;
	s5 =	simm.s32 @!p2 $0x0  }
0x1d: {  	s5 =	simm.s32 @p1 $0x1;
	p0 =	seq.s32 s7, s2  }
0x1e: {  	s7 =	smul.u32 @!p0 $0xF7A, s2;
	p2 =	seq.s32 @!p0 s5, $0x0  }
0x1f: {  	s9 =	smul.u32 $0xF7A, s1;
	s8 =	simm.s32 @!p0 $0x1BF5;
	p2 =	por !p2, p0  }
0x20: {  	[sflag:s8] =	ssyncset.s32 @!p0 $0xFFFFF086;
	s6 =	sadd.s32 @!p0 s3, s7;
	s7 =	simm.s32 @!p0 $0x108  }
0x21: {  	s3 =	sadd.s32 s3, s9;
	s6 =	sadd.s32 @!p0 $0x88, s6;
	s7 =	simm.s32 @p2 $0x1082  }
0x22: {  	[simem:s7], [sflag:s8] =	dma.local @!p0 [hbm:s6], $0xF7A  }
0x23: {  	s9 =	sor.u32 $0xD0000000, s2;
	s6 =	simm.s32 $0x108;
	_ =	swait.ge @!p0 [sflag:s8], $0x0  }
0x24: {  	s3 =	sadd.s32 $0x88, s3;
	s6 =	simm.s32 @!p1 $0x1082;
	[sflag:s4] =	ssyncset.s32 $0xFFFFF086  }
0x25: {  	[simem:s6], [sflag:s4] =	dma.local [hbm:s3], $0xF7A  }
0x26: {  	[smem:$0x3FA0] =	sst s1;
	(tag) =	ssettag s2;
	_ =	strace s9  }
0x27: {  	s1 =	sld [smem:$0x3FB0]  }
0x28: {  	s2 =	sld [smem:$0x3FB1]  }
0x29: {  	s4 =	sld [smem:$0x3FB3]  }
0x2a: {  	p0 =	seq.s32 s5, $0x0;
	s5 =	sld [smem:$0x3FB4]  }
0x2b: {  	s6 =	sld [smem:$0x3FB5]  }
0x2c: {  	s7 =	sld [smem:$0x3FB6]  }
0x2d: {  	s3 =	simm.s32 $0x108;
	s8 =	sld [smem:$0x3FB7]  }
0x2e: {  	s3 =	simm.s32 @!p0 $0x1082;
	s9 =	sld [smem:$0x3FB8]  }
0x2f: {  	lr =	sadd.s32 s0, s3;
	s0 =	sld [smem:$0x3FAF]  }
0x30: {  	s3 =	sld [smem:$0x3FB2]  }
0x31: {  	[smem:$0x3FBB] =	sst s10  }
0x32: {  	s10 =	sld [smem:$0x3FB9];
	_ =	sdelay $0x3  }
0x33: {  	p0 =	seq.s32 s10, $0x1;
	s10 =	sld [smem:$0x3FBB];
	_ =	sdelay $0x3  }
0x34: {  	[smem:$0x3FBB] =	sst s10  }
0x35: {  	s10 =	sld [smem:$0x3FBA];
	_ =	sdelay $0x3  }
0x36: {  	p1 =	seq.s32 s10, $0x1;
	s10 =	sld [smem:$0x3FBB];
	_ =	sdelay $0x3  }
0x37: {  	[smem:$0x3FBB] =	sst s10  }
0x38: {  	s10 =	sld [smem:$0x3FBC]  }
0x39: {  	_ = 	snop;
	(pc) =	sbr.ind lr, $3  }
0x3a: {  	_ = 	snop  }
0x3b: {  	_ = 	snop  }
0x3c: {  	p2 =	seq.s32 s10, $0x1;
	s10 =	sld [smem:$0x3FBB]  }
0x3d: {  	_ =	shalt  }
0x3e: {  	_ =	shalt  }
0x3f: {  	_ =	shalt  }
0x40: {  	_ =	shalt  }
0x41: {  	_ =	shalt  }
0x42: {  	_ =	shalt  }
0x43: {  	_ =	shalt  }
0x44: {  	_ =	shalt  }
0x45: {  	_ =	shalt  }
0x46: {  	_ =	shalt  }
0x47: {  	_ =	shalt  }
0x48: {  	_ =	shalt  }
0x49: {  	_ =	shalt  }
0x4a: {  	_ =	shalt  }
0x4b: {  	_ =	shalt  }
0x4c: {  	_ =	shalt  }
0x4d: {  	_ =	shalt  }
0x4e: {  	_ =	shalt  }
0x4f: {  	_ =	shalt  }
0x50: {  	_ =	shalt  }
0x51: {  	_ =	shalt  }
0x52: {  	_ =	shalt  }
0x53: {  	_ =	shalt  }
0x54: {  	_ =	shalt  }
0x55: {  	_ =	shalt  }
0x56: {  	_ =	shalt  }
0x57: {  	_ =	shalt  }
0x58: {  	_ =	shalt  }
0x59: {  	_ =	shalt  }
0x5a: {  	_ =	shalt  }
0x5b: {  	_ =	shalt  }
0x5c: {  	_ =	shalt  }
0x5d: {  	_ =	shalt  }
0x5e: {  	_ =	shalt  }
0x5f: {  	_ =	shalt  }
0x60: {  	_ =	shalt  }
0x61: {  	_ =	shalt  }
0x62: {  	_ =	shalt  }
0x63: {  	_ =	shalt  }
0x64: {  	_ =	shalt  }
0x65: {  	_ =	shalt  }
0x66: {  	_ =	shalt  }
0x67: {  	_ =	shalt  }
0x68: {  	_ =	shalt  }
0x69: {  	_ =	shalt  }
0x6a: {  	_ =	shalt  }
0x6b: {  	_ =	shalt  }
0x6c: {  	_ =	shalt  }
0x6d: {  	_ =	shalt  }
0x6e: {  	_ =	shalt  }
0x6f: {  	_ =	shalt  }
0x70: {  	_ =	shalt  }
0x71: {  	_ =	shalt  }
0x72: {  	_ =	shalt  }
0x73: {  	_ =	shalt  }
0x74: {  	_ =	shalt  }
0x75: {  	_ =	shalt  }
0x76: {  	_ =	shalt  }
0x77: {  	_ =	shalt  }
0x78: {  	_ =	shalt  }
0x79: {  	_ =	shalt  }
0x7a: {  	_ =	shalt  }
0x7b: {  	_ =	shalt  }
0x7c: {  	_ =	shalt  }
0x7d: {  	_ =	shalt  }
0x7e: {  	_ =	shalt  }
0x7f: {  	_ =	shalt  }
0x80: {  	_ =	shalt  }
0x81: {  	_ =	shalt  }
0x82: {  	_ =	shalt  }
0x83: {  	_ =	shalt  }
0x84: {  	_ =	shalt  }
0x85: {  	_ =	shalt  }
0x86: {  	_ =	shalt  }
0x87: {  	_ =	shalt  }
.Lfunc_end0:
.L_simem_size_0:
called_computation_lowered:
.L_overlay_start_0:
0x88: {  	s2 =	sld [smem:$0x3FD9]  }
0x89: {  	s3 =	sld [smem:$0x3FFE];
	_ =	sdelay $0x1  }
0x8a: {  	s1 =	srdreg.scid  }
0x8b: {  	s0 =	sand.u32 $0x1, s1  }
0x8c: {  	s16 =	sshll.u32 s0, $0xA;
	s2 =	sadd.s32 s3, s2  }
0x8d: {  	s2 =	sadd.s32 s2, s16  }
0x8e: {  	[smem:$0x3FC7] =	sst s2  }
0x8f: {  	_ = 	snop  }
0x90: {  	(tm) =	ssettm $0x1  }
0x91: {  	s17 =	sld [smem:$0x3FFB];
	_ =	sdelay $0x3  }
0x92: {  	_ =	strace s17  }
0x93: {  	s2 =	sld [smem:$0x3FFC];
	_ =	sdelay $0x3  }
0x94: {  	_ =	strace s2  }
0x95: {  	s2 =	sld [smem:$0x3FFD];
	_ =	sdelay $0x3  }
0x96: {  	_ =	strace s2  }
0x97: {  	_ =	strace $0x8FFFFFFF  }
0x98: {  	s18 =	sld [smem:$0x3FDB];
	_ =	sdelay $0x1  }
0x99: {  	s19 =	simm.s32 $_scs_section_size  }
0x9a: {  	s4 =	simm.s32 $_size__tile_overlayer_lowered;
	s5 =	simm.s32 $_tile_overlayer_lowered  }
0x9b: {  	s22 =	simm.s32 $0x1BFF;
	s21 =	sshll.u32 s5, $0x1;
	s2 =	sadd.s32 s19, s18  }
0x9c: {  	s6 =	simm.s32 $0x0;
	s20 =	sshll.u32 s4, $0x1;
	s4 =	sadd.s32 s21, s2  }
0x9d: {  	[timem:s6], [sflag:s22] =	dma.local [hbm:s4], s20  }
0x9e: {  	_ =	swait.ge [sflag:s22], s20  }
0x9f: {  	s3 =	ssub.s32 $0x0, s20;
	[sflag:s22] =	ssyncset.done $0x0  }
0xa0: {  	[sflag:s22] =	ssyncadd.s32 s3;
	_ =	sdelay $0x1  }
0xa1: {  	s23 =	simm.s32 $0x1B8B  }
0xa2: {  	_ =	swait.ge [sflag:s23], $0x1  }
0xa3: {  	[sflag:s23] =	ssyncset.done $0x0  }
0xa4: {  	s25 =	simm.s32 $0x1B8E;
	s24 =	sld [smem:$0x3FFE];
	[sflag:s23] =	ssyncadd.s32 $0xFFFFFFFF  }
0xa5: {  	s26 =	simm.s32 $execute0_lowered;
	[smem:$0x3FD2] =	sst s25  }
0xa6: {  	s4 =	sshll.u32 s26, $0x1;
	_ =	strace $0x80000046;
	[dreg:$0x1] =	wrdreg $0xFFFFFFFF  }
0xa7: {  	s28 =	simm.s32 $_size_execute0_lowered;
	s2 =	sadd.s32 s2, s4;
	[dreg:$0x0] =	wrdreg $0x0  }
0xa8: {  	s4 =	sshll.u32 s28, $0x1;
	[dreg:$0x2] =	wrdreg s2  }
0xa9: {  	[dreg:$0x3] =	wrdreg s4  }
0xaa: {  	[dreg:$0x4] =	wrdreg $0xC0  }
0xab: {  	_ =	task [dreg:s6], $0x5FFFF  }
0xac: {  	[dreg:$0x1] =	wrdreg $0xFFFFFFFF  }
0xad: {  	[dreg:$0x0] =	wrdreg $0x60  }
0xae: {  	[dreg:$0x2] =	wrdreg s24  }
0xaf: {  	[dreg:$0x3] =	wrdreg $0x9  }
0xb0: {  	_ =	task.clear_ibuf [dreg:s6], $0x4FFFF;
	_ =	strace $0x90000046  }
0xb1: {  	s29 =	simm.s32 $0x9;
	_ =	strace $0x80000048  }
0xb2: {  	_ =	swait.ge [sflag:s29], $0x1  }
0xb3: {  	[sflag:s29] =	ssyncadd.s32 $0xFFFFFFFF  }
0xb4: {  	_ =	strace $0x90000048  }
0xb5: {  	_ =	sfence  }
0xb6: {  	s30 =	sld [smem:$0x0];
	_ =	sdelay $0x2  }
0xb7: {  	s31 =	sshll.u32 s1, $0xD;
	s1 =	sshrl.u32 s1, $0x2  }
0xb8: {  	s3 =	sand.u32 $0x4000, s31;
	s1 =	sadd.s32 s1, s30  }
0xb9: {  	s0 =	sor.u32 s3, s0;
	s1 =	sshll.u32 s1, $0x11  }
0xba: {  	s0 =	sor.u32 s1, s0  }
0xbb: {  	s0 =	sadd.s32 $0x8F2B, s0  }
0xbc: {  	[sflag:s0] =	ssyncadd.remote.s32 $0x1  }
0xbd: {  	_ =	sfence.sel $0xFFFF  }
0xbe: {  	[dreg:$0x0] =	wrdreg $0xFFFFFFFF;
	(pc) =	sbr.abs _section_cstart, $3  }
0xbf: {  	[dreg:$0x1] =	wrdreg $0xFFFFFFFF  }
0xc0: {  	_ =	task.clear_ibuf [dreg:s6], $0x2FFFF;
	_ =	strace $0x9FFFFFFF  }
0xc1: {  	(tm) =	ssettm $0x7FFFFFFF  }
tec
execute0_lowered:
.L_overlay_start_1:
0x0: {  	(tag) =	ssettag $0x1  }
0x1: {  	s22 =	stileid.u32  }
0x2: {  	s0 =	srdreg.scid;
	s2 =	rddreg [dreg:$0x0];
	s3 =	simm.s32 $0x0  }
0x3: {  	s16 =	simm.s32 $0x1;
	s1 =	sshll.u32 s22, $0x1;
	s10 =	sand.u32 $0x1, s0  }
0x4: {  	[smem:$0x7FF] =	sst s3;
	s24 =	sshrl.u32 s22, $0x2;
	s11 =	sand.u32 $0x6, s1  }
0x5: {  	s14 =	sadd.s32 $0x60000, s2;
	s12 =	smul.u32 $0x3, s24;
	s0 =	sor.u32 s10, s11  }
0x6: {  	_ =	strace $0x80000047;
	s5 =	ssub.s32 $0x2, s10;
	s4 =	smul.u32 $0x5FD, s0  }
0x7: {  	s8 =	sshrl.u32 s5, $0x1;
	p3 =	seq.s32 s11, $0x0;
	s21 =	smul.u32 $0x180059D, s0  }
0x8: {  	s15 =	ssub.s32 s5, s8;
	p0 =	seq.s32 s0, $0x0;
	s8 =	simm.s32 $0x0  }
0x9: {  	p5 =	slt.u32 s0, $0x3;
	s8 =	simm.s32 @!p0 $0x2;
	s1 =	sshrl.u32 s21, $0x1A  }
0xa: {  	s15 =	smax.u32 s15, $0x1;
	s20 =	sadd.s32 $0x5FD, s4;
	s23 =	smul.u32 $0x1FF, s1  }
0xb: {  	s4 =	sshrl.u32 s4, $0x3;
	s8 =	sadd.s32 s12, s8;
	s13 =	smul.u32 $0x5558, s1  }
0xc: {  	s9 =	sshrl.u32 s20, $0x3;
	s25 =	sshll.u32 s8, $0xF;
	s30 =	smul.u32 $0xAAAB7F8, s1  }
0xd: {  	s24 =	sadd.s32 s1, s12;
	s6 =	sadd.s32 $0xFFFFFFFF, s9;
	s26 =	sadd.s32 s25, s14  }
0xe: {  	s7 =	sand.u32 $0xFFFF, s6;
	s4 =	ssub.s32 s4, s23;
	s5 =	ssub.s32 s9, s23  }
0xf: {  	s28 =	sand.u32 $0xFFF8, s13;
	s8 =	sshrl.u32 s30, $0x1A;
	s7 =	smul.u32 $0x81, s7  }
0x10: {  	p1 =	slt.s32 s5, $0x1FF;
	p6 =	sgt.u32 s28, $0x2A;
	s8 =	ssub.s32 s0, s8  }
0x11: {  	s5 =	simm.s32 @!p1 $0x1FF;
	p0 =	por !p5, !p6;
	s7 =	sshrl.u32 s7, $0x10  }
0x12: {  	s29 =	ssub.s32 s5, s4;
	p0 =	por !p0, !p0;
	s6 =	ssub.s32 s6, s7  }
0x13: {  	s31 =	sadd.s32 $0x3F, s29;
	s16 =	simm.s32 @!p0 $0x0;
	p1 =	slt.s32 s29, $0xFFFFFFC2  }
0x14: {  	s6 =	sand.u32 $0xFFFE, s6;
	s17 =	sshll.u32 s31, $0x10;
	s16 =	sadd.s32 s16, s8  }
0x15: {  	s13 =	sand.u32 $0x3F, s31;
	s6 =	sshrl.u32 s6, $0x1;
	s17 =	sshra.s32 s17, $0x1F  }
0x16: {  	p2 =	sne.s32 s13, $0x0;
	s16 =	sshll.u32 s16, $0x10;
	s6 =	sadd.s32 s7, s6  }
0x17: {  	s17 =	sand.u32 $0x3F, s17;
	p0 =	por !p1, !p2;
	s7 =	sshll.u32 s24, $0x12  }
0x18: {  	s19 =	sshrl.u32 s6, $0x8;
	s6 =	sadd.s32 $0x6000, s26;
	s20 =	sadd.s32 s17, s31  }
0x19: {  	p0 =	por !p0, !p0;
	s17 =	simm.s32 $0x1;
	s16 =	sadd.s32 s7, s16  }
0x1a: {  	s18 =	smul.u32 $0xFF8, s19;
	[dreg:$0x2] =	wrdreg s6;
	s8 =	sshll.u32 s20, $0x10  }
0x1b: {  	s17 =	simm.s32 @!p0 $0x0;
	s28 =	smul.u32 $0xFFFFFE01, s19;
	s6 =	sand.u32 $0x3, s22  }
0x1c: {  	s12 =	sadd.s32 s19, s12;
	s16 =	sshrl.u32 s16, $0x3;
	s8 =	sshra.s32 s8, $0x16  }
0x1d: {  	p2 =	sle.u32 s19, s1;
	s21 =	sand.u32 $0xFFF8, s18;
	s8 =	ssub.s32 s8, s17  }
0x1e: {  	s17 =	simm.s32 $0x1;
	s9 =	sadd.s32 s9, s28;
	s23 =	smul.u32 $0x5601, s21  }
0x1f: {  	s21 =	smul.u32 $0x5558, s19;
	s30 =	sadd.s32 $0x3F, s9;
	p5 =	slt.s32 s9, $0xFFFFFFC2  }
0x20: {  	s19 =	simm.s32 $0x0;
	s31 =	sshll.u32 s30, $0x10;
	s22 =	sand.u32 $0x3F, s30  }
0x21: {  	s20 =	sshrl.u32 s23, $0x10;
	s26 =	sand.u32 $0xFFF8, s21;
	s21 =	smul.u32 $0x5FD, s10  }
0x22: {  	s10 =	sshll.u32 s12, $0x12;
	s18 =	ssub.s32 s18, s20;
	p4 =	sgt.u32 s26, $0x2A  }
0x23: {  	p6 =	sne.s32 s22, $0x0;
	s25 =	sand.u32 $0xFFFE, s18;
	p0 =	por !p3, !p4  }
0x24: {  	s12 =	simm.s32 $0x1;
	s13 =	sshrl.u32 s25, $0x1;
	p0 =	por !p0, !p0  }
0x25: {  	s18 =	sshra.s32 s31, $0x1F;
	s13 =	sadd.s32 s20, s13;
	s17 =	simm.s32 @!p0 $0x0  }
0x26: {  	s20 =	smul.u32 $0xBFA, s6;
	p0 =	por !p5, !p6;
	s29 =	sshrl.u32 s13, $0xA  }
0x27: {  	p0 =	por !p0, !p0;
	s13 =	simm.s32 $0x1;
	s11 =	ssub.s32 s0, s29  }
0x28: {  	s23 =	sadd.s32 s21, s20;
	s13 =	simm.s32 @!p0 $0x0;
	p0 =	seq.s32 s0, $0x7  }
0x29: {  	s17 =	sadd.s32 s17, s11;
	s11 =	sand.u32 $0x3F, s18;
	s18 =	smulhi.u32 $0x100805, s23  }
0x2a: {  	s20 =	sshrl.u32 s23, $0x3;
	p1 =	sne.s32 @!p0 s0, $0x0;
	s11 =	sadd.s32 s11, s30  }
0x2b: {  	s25 =	sshll.u32 s17, $0x10;
	s26 =	sshll.u32 s20, $0xB;
	s24 =	smul.u32 $0xFF800, s18  }
0x2c: {  	p0 =	por p0, !p1;
	p1 =	slt.s32 s8, $0x1;
	s31 =	smul.u32 $0x1FF, s18  }
.Ltmp0:
0x2d: {  	s11 =	sshll.u32 s11, $0x10;
	s28 =	sadd.s32 s10, s25;
	(pc) =	sbr.rel .LBB2_1-.Ltmp0, $4  }
0x2e: {  	s18 =	simm.s32 $0x10000;
	s11 =	sshra.s32 s11, $0x16;
	s17 =	ssub.s32 s26, s24  }
0x2f: {  	s29 =	sshrl.u32 s28, $0x3;
	s11 =	ssub.s32 s11, s13;
	s30 =	sadd.s32 $0x1000, s17  }
0x30: {  	s13 =	sadd.s32 s14, s16;
	s14 =	sadd.s32 s14, s29;
	s16 =	sshra.s32 s30, $0x2  }
0x31: {  	v0 =	vimm.f32 $0.0e+00;
	vm0 =	vmxor vm0, vm0;
	s17 =	ssub.s32 s20, s31;
	p3 =	slt.s32 s11, $0x1;
	s16 =	sadd.s32 $0x10000, s16  }
.LBB2_19:
0x32: {  	[hbm4b:s14+s3] =	stream.linear.scatter [tilespmem:s3], [sflag:$0x1], $0x10000, $0x38;
	[tilespmem:$0x18200] =	vst v63  }
0x33: {  	_ =	swait.ge [sflag:s12], $0x10000  }
0x34: {  	[sflag:s12] =	ssyncset.done $0x0  }
0x35: {  	[sflag:s12] =	ssyncadd.s32 $0xFFFF0000  }
.LBB2_20:
0x36: {  	s19 =	sadd.s32 $0x1, s19  }
0x37: {  	p4 =	sne.s32 s19, s15  }
.Ltmp1:
0x38: {  	_ = 	snop;
	(pc) =	sbr.rel @!p4 .LBB2_21-.Ltmp1, $1  }
0x39: {  	_ =	sdelay $0x3  }
.LBB2_1:
0x3a: {  	s0 =	simm.s32 $0x40  }
0x3b: {  	[tilespmem:s0+$0xFFFFFFC0] =	vst v0  }
0x3c: {  	[tilespmem:s0+$0x30] =	vst v0  }
0x3d: {  	[tilespmem:s0+$0x20] =	vst v0  }
0x3e: {  	[tilespmem:s0+$0x10] =	vst v0  }
0x3f: {  	[tilespmem:s0+$0x0] =	vst v0  }
0x40: {  	[tilespmem:s0+$0xFFFFFFF0] =	vst v0  }
0x41: {  	s1 =	simm.s32 $0x0;
	[tilespmem:s0+$0xFFFFFFE0] =	vst v0  }
.LBB2_2:
0x42: {  	s1 =	sadd.s32 $0x8, s1;
	[tilespmem:s0+$0xFFFFFFD0] =	vst v0;
	s0 =	sadd.s32 $0x80, s0  }
0x43: {  	[tilespmem:s0+$0xFFFFFFC0] =	vst v0;
	p4 =	slt.u32 s1, $0xFF8  }
0x44: {  	[tilespmem:s0+$0x30] =	vst v0  }
.Ltmp2:
0x45: {  	[tilespmem:s0+$0x20] =	vst v0;
	(pc) =	sbr.rel @p4 .LBB2_2-.Ltmp2, $4  }
0x46: {  	[tilespmem:s0+$0x10] =	vst v0  }
0x47: {  	[tilespmem:s0+$0x0] =	vst v0  }
0x48: {  	[tilespmem:s0+$0xFFFFFFF0] =	vst v0  }
0x49: {  	[tilespmem:s0+$0xFFFFFFE0] =	vst v0  }
.Ltmp3:
0x4a: {  	[tilespmem:s0+$0xFFFFFFD0] =	vst v0;
	s0 =	rddreg @p0 [dreg:$0x2];
	(pc) =	sbr.rel @p1 .LBB2_10-.Ltmp3, $4  }
0x4b: {  	[hbm4b:s0+s3] =	stream.linear.scatter @p0 [tilespmem:s3], [sflag:$0x1], $0x10000, $0x38;
	[tilespmem:$0x18200] =	vst v63  }
0x4c: {  	_ =	swait.ge @p0 [sflag:s12], $0x10000  }
0x4d: {  	[sflag:s12] =	ssyncset.done @p0 $0x0  }
0x4e: {  	[sflag:s12] =	ssyncadd.s32 @p0 $0xFFFF0000  }
0x4f: {  	s20 =	simm.s32 $0x0  }
0x50: {  	s21 =	smov.u32 s17;
	s22 =	smov.u32 s16;
	s23 =	simm.s32 $0x0  }
.LBB2_5:
0x51: {  	s0 =	sshll.u32 s23, $0x6  }
0x52: {  	s24 =	smov.u32 s21;
	s29 =	simm.s32 $0x0;
	s0 =	sadd.s32 s4, s0  }
0x53: {  	s30 =	simm.s32 $0x0;
	p4 =	slt.s32 s0, $0x1BF;
	s1 =	smov.u32 s0  }
0x54: {  	s26 =	sadd.s32 $0x40, s0;
	s1 =	simm.s32 @!p4 $0x1BF;
	p4 =	slt.s32 s21, $0x1BF  }
0x55: {  	s24 =	simm.s32 @!p4 $0x1BF;
	s25 =	sshll.u32 s1, $0x9;
	p4 =	slt.s32 s26, s5  }
0x56: {  	s1 =	ssub.s32 s0, s1;
	s24 =	sshll.u32 s24, $0xB;
	s25 =	sadd.s32 s7, s25  }
0x57: {  	s28 =	ssub.s32 $0x0, s24;
	s24 =	smov.u32 s5;
	s25 =	sshrl.u32 s25, $0x3  }
0x58: {  	s24 =	smov.u32 @p4 s26;
	s25 =	sadd.s32 s2, s25;
	s26 =	sshll.u32 s1, $0xB  }
0x59: {  	[tilespmem:s18], [sflag:$0x1] =	stream.linear.gather [hbm4b:s25+s20], $0x8200, $0x38;
	[tilespmem:$0x18200] =	vst v63  }
0x5a: {  	s31 =	sshra.s32 s28, $0x2;
	s28 =	simm.s32 $0x0;
	_ =	swait.ge [sflag:s12], $0x8200  }
0x5b: {  	s24 =	ssub.s32 s24, s0;
	s0 =	sshra.s32 s26, $0x2;
	[sflag:s12] =	ssyncset.done $0x0  }
0x5c: {  	s26 =	sadd.s32 s31, s22;
	s25 =	sadd.s32 $0x10000, s0;
	[sflag:s12] =	ssyncadd.s32 $0xFFFF7E00  }
.LBB2_6:
0x5d: {  	s0 =	sshll.u32 s30, $0x4  }
0x5e: {  	s1 =	sand.u32 $0x180, s0  }
0x5f: {  	s0 =	sand.u32 $0x70, s0;
	s1 =	sadd.s32 s1, s25  }
0x60: {  	s0 =	sadd.s32 s0, s1  }
0x61: {  	v1 =	vld [tilespmem:s0+$0x0];
	_ =	sdelay $0x4  }
0x62: {  	v1 =	vmul.f32 $2.560000000e+02, v1;
	_ =	sdelay $0x1  }
0x63: {  	v1 =	vadd.f32 $2.555000000e+02, v1;
	_ =	sdelay $0x1  }
0x64: {  	v2 =	vtrunc.f32 v1  }
0x65: {  	v2 =	vcvt.f32.s32 v2;
	_ =	sdelay $0x1  }
0x66: {  	v3 =	vcvt.s32.f32 v2  }
0x67: {  	s6 =	sand.u32 $0x7, s28;
	s1 =	sshll.u32 s29, $0x2  }
0x68: {  	s0 =	sand.u32 $0xFFFFFE00, s1;
	s1 =	sshll.u32 s6, $0x6;
	v1 =	vsub.f32 v1, v3  }
0x69: {  	s0 =	sor.u32 s1, s0  }
0x6a: {  	s0 =	sshrl.u32 s0, $0x2;
	v1 =	vmul.f32 $3.141592740e+00, v1  }
0x6b: {  	s0 =	sadd.s32 s0, s26  }
0x6c: {  	v5 =	vld [tilespmem:s0+$0x200];
	v1 =	vadd.f32 $-1.570796370e+00, v1  }
0x6d: {  	v6 =	vld [tilespmem:s0+$0x0]  }
0x6e: {  	v3 =	vmul.f32 v1, v1;
	_ =	sdelay $0x1  }
0x6f: {  	v4 =	vmul.f32 $3.785384590e-03, v3  }
0x70: {  	v5 =	vmul.f32 $2.560000000e+02, v5  }
0x71: {  	v6 =	vmul.f32 $2.560000000e+02, v6;
	v4 =	vadd.f32 $-8.295372120e-02, v4  }
0x72: {  	v5 =	vadd.f32 $2.555000000e+02, v5  }
0x73: {  	v6 =	vadd.f32 $2.555000000e+02, v6;
	v3 =	vmul.f32 v4, v3  }
0x74: {  	v10 =	vtrunc.f32 v5  }
0x75: {  	v12 =	vtrunc.f32 v6;
	v10 =	vcvt.f32.s32 v10;
	v4 =	vld [tilespmem:s0+$0x400];
	v3 =	vadd.f32 $4.999447170e-01, v3  }
0x76: {  	v12 =	vcvt.f32.s32 v12  }
0x77: {  	v14 =	vcvt.s32.f32 v10;
	v1 =	vmul.f32 v3, v1;
	v3 =	vld [tilespmem:s0+$0xFFFFFE00];
	_ =	sdelay $0x1  }
0x78: {  	p4 =	sgt.s32 s24, $0x0;
	vm2 =	vmmov vm0;
	v5 =	vsub.f32 v5, v14;
	v14 =	vcvt.s32.f32 v12  }
0x79: {  	vm3 =	vmmov vm0;
	vm2 =	vmneg @p4 vm2;
	v4 =	vmul.f32 $2.560000000e+02, v4  }
0x7a: {  	v7 =	vadd.s32 $0xFFFFFF00, v2;
	v2 =	vadd.s32 $0xFFFFFF01, v2;
	v6 =	vsub.f32 v6, v14  }
0x7b: {  	vm1 =	vgt.s32 v7, $0x0;
	v9 =	vadd.f32 $2.555000000e+02, v4;
	v8 =	vmul.f32 $2.560000000e+02, v3  }
0x7c: {  	v7 =	vnsel vm1, $0x0, v7;
	vm1 =	vlt.s32 v2, $0xFF;
	v6 =	vmul.f32 $3.141592740e+00, v6  }
0x7d: {  	v4 =	vshll.u32 v7, $0x8;
	v7 =	vadd.f32 $2.555000000e+02, v8;
	v8 =	vtrunc.f32 v9  }
0x7e: {  	p4 =	sgt.s32 s24, $0x1;
	v2 =	vnsel vm1, $0xFF, v2;
	vm1 =	vmmov vm0;
	v8 =	vcvt.f32.s32 v8  }
0x7f: {  	v2 =	vshll.u32 v2, $0x8;
	vm1 =	vmneg @p4 vm1;
	v20 =	vadd.f32 $-1.570796370e+00, v6  }
0x80: {  	p4 =	sgt.s32 s24, $0x2;
	v16 =	vadd.s32 $0xFFFFFF00, v12;
	v11 =	vtrunc.f32 v7;
	v13 =	vcvt.s32.f32 v8  }
0x81: {  	vm3 =	vmneg @p4 vm3;
	v21 =	vmul.f32 v20, v20;
	v11 =	vcvt.f32.s32 v11  }
0x82: {  	vm5 =	vgt.s32 v16, $0x0;
	v5 =	vmul.f32 $3.141592740e+00, v5;
	v9 =	vsub.f32 v9, v13  }
0x83: {  	v16 =	vnsel vm5, $0x0, v16;
	v25 =	vmul.f32 $3.785384590e-03, v21;
	v13 =	vcvt.s32.f32 v11  }
0x84: {  	v30 =	vshll.u32 v16, $0x8;
	v5 =	vadd.f32 $-1.570796370e+00, v5;
	v9 =	vmul.f32 $3.141592740e+00, v9  }
0x85: {  	v14 =	vadd.s32 $0xFFFFFF01, v12;
	v25 =	vadd.f32 $-8.295372120e-02, v25;
	v7 =	vsub.f32 v7, v13  }
0x86: {  	vm6 =	vlt.s32 v14, $0xFF;
	v1 =	vsub.f32 $5.000000000e-01, v1;
	v9 =	vadd.f32 $-1.570796370e+00, v9  }
0x87: {  	v14 =	vnsel vm6, $0xFF, v14;
	v21 =	vmul.f32 v25, v21;
	v7 =	vmul.f32 $3.141592740e+00, v7  }
0x88: {  	v3 =	vsub.f32 $1.000000000e+00, v1;
	v18 =	vadd.s32 $0xFFFFFF00, v8;
	v13 =	vmul.f32 v9, v9  }
0x89: {  	v15 =	vadd.s32 $0xFFFFFF00, v11;
	v17 =	vadd.f32 $-1.570796370e+00, v7;
	v7 =	vmul.f32 v5, v5  }
0x8a: {  	v8 =	vadd.s32 $0xFFFFFF01, v8;
	vm4 =	vgt.s32 v15, $0x0;
	v6 =	vmul.f32 $3.785384590e-03, v13  }
0x8b: {  	vm15 =	vgt.s32 v18, $0x0;
	v12 =	vnsel vm4, $0x0, v15;
	v15 =	vmul.f32 $3.785384590e-03, v7  }
0x8c: {  	vm8 =	vlt.s32 v8, $0xFF;
	v11 =	vadd.s32 $0xFFFFFF01, v11;
	v6 =	vadd.f32 $-8.295372120e-02, v6  }
0x8d: {  	vm7 =	vlt.s32 v11, $0xFF;
	v19 =	vmul.f32 v17, v17;
	v15 =	vadd.f32 $-8.295372120e-02, v15  }
0x8e: {  	p4 =	sgt.s32 s24, $0x3;
	v11 =	vnsel vm7, $0xFF, v11;
	vm4 =	vmmov vm0;
	v6 =	vmul.f32 v6, v13  }
0x8f: {  	vm4 =	vmneg @p4 vm4;
	v22 =	vmul.f32 $3.785384590e-03, v19;
	v7 =	vmul.f32 v15, v7  }
0x90: {  	v13 =	vadd.s32 $0xFFFFFF00, v10;
	v10 =	vadd.s32 $0xFFFFFF01, v10;
	v6 =	vadd.f32 $4.999447170e-01, v6  }
0x91: {  	v15 =	vnsel vm8, $0xFF, v8;
	vm9 =	vgt.s32 v13, $0x0;
	v7 =	vadd.f32 $4.999447170e-01, v7  }
0x92: {  	v22 =	vadd.f32 $-8.295372120e-02, v22;
	v23 =	vnsel vm9, $0x0, v13;
	v6 =	vmul.f32 v6, v9  }
0x93: {  	v9 =	vnsel vm15, $0x0, v18;
	v5 =	vmul.f32 v7, v5;
	v7 =	vshll.u32 v23, $0x8  }
0x94: {  	vm10 =	vlt.s32 v10, $0xFF;
	v8 =	vadd.s32 v7, v9;
	v6 =	vsub.f32 $5.000000000e-01, v6  }
0x95: {  	v10 =	vnsel vm10, $0xFF, v10;
	v7 =	vadd.s32 v7, v15;
	v13 =	vsub.f32 $5.000000000e-01, v5  }
0x96: {  	v19 =	vmul.f32 v22, v19;
	v24 =	vshll.u32 v10, $0x8;
	v5 =	vsub.f32 $1.000000000e+00, v6  }
0x97: {  	v26 =	vadd.s32 v24, v9;
	v18 =	vsub.f32 $1.000000000e+00, v13;
	v27 =	vmul.f32 v6, v13  }
0x98: {  	v22 =	vshll.u32 v12, $0x8;
	v24 =	vadd.s32 v24, v15;
	v28 =	vmul.f32 v5, v13  }
0x99: {  	v29 =	vmul.f32 v6, v18;
	[tilespmem:v8+s3+$0x0] =	vst.idx.add.f32.msk vm4, v27;
	v27 =	vmul.f32 v5, v18;
	v8 =	vshll.u32 v9, $0x8  }
0x9a: {  	v9 =	vadd.f32 $4.999447170e-01, v19;
	v19 =	vadd.s32 v22, v14;
	[tilespmem:v7+s3+$0x0] =	vst.idx.add.f32.msk vm4, v28;
	v28 =	vshll.u32 v11, $0x8  }
0x9b: {  	v7 =	vshll.u32 v15, $0x8;
	v15 =	vadd.f32 $4.999447170e-01, v21;
	v21 =	vadd.s32 v22, v16  }
0x9c: {  	s1 =	sadd.s32 $0x800, s0;
	v9 =	vmul.f32 v9, v17;
	[tilespmem:v26+s3+$0x0] =	vst.idx.add.f32.msk vm4, v29;
	v26 =	vshll.u32 v14, $0x8;
	v17 =	vadd.s32 v28, v16  }
0x9d: {  	v16 =	vadd.s32 v28, v14;
	v14 =	vadd.s32 v30, v23;
	v28 =	vld [tilespmem:s1+$0x400];
	v20 =	vmul.f32 v15, v20  }
0x9e: {  	v29 =	vld [tilespmem:s1+$0x200];
	v25 =	vsub.f32 $5.000000000e-01, v9;
	v15 =	vadd.s32 v30, v10;
	v9 =	vadd.s32 v26, v23  }
0x9f: {  	[tilespmem:v24+s3+$0x0] =	vst.idx.add.f32.msk vm4, v27;
	v23 =	vadd.s32 v4, v12;
	v10 =	vadd.s32 v26, v10;
	v22 =	vsub.f32 $5.000000000e-01, v20  }
0xa0: {  	s31 =	simm.s32 $0x4;
	s0 =	simm.s32 $0x8;
	v27 =	vld [tilespmem:s1+$0xFFFFFE00];
	v26 =	vsub.f32 $1.000000000e+00, v25;
	v24 =	vmul.f32 v25, v1;
	v20 =	vmul.f32 v25, v3  }
.LBB2_7:
0xa1: {  	v31 =	vsub.f32 $1.000000000e+00, v22  }
0xa2: {  	p4 =	slt.u32 s0, $0x3C;
	v30 =	vld [tilespmem:s1+$0x0];
	v32 =	vmul.f32 v22, v25;
	v33 =	vmul.f32 v18, v22;
	vm4 =	vmmov vm3  }
0xa3: {  	v34 =	vadd.s32 v4, v11;
	v35 =	vmul.f32 v26, v1;
	v36 =	vmul.f32 v26, v3;
	v1 =	vmovc v6  }
0xa4: {  	v6 =	vadd.s32 v2, v12;
	v28 =	vmul.f32 $2.560000000e+02, v28;
	[tilespmem:v21+s3+$0x0] =	vst.idx.add.f32.msk vm1, v32;
	v25 =	vmul.f32 v31, v25  }
0xa5: {  	v11 =	vadd.s32 v2, v11;
	v12 =	vmul.f32 $2.560000000e+02, v29;
	[tilespmem:v23+s3+$0x0] =	vst.idx.add.f32.msk vm2, v24;
	v24 =	vmul.f32 v22, v26  }
0xa6: {  	v3 =	vmovc v5;
	v21 =	vmul.f32 $2.560000000e+02, v27;
	v23 =	vadd.f32 $2.555000000e+02, v28;
	[tilespmem:v19+s3+$0x0] =	vst.idx.add.f32.msk vm1, v25;
	v19 =	vmul.f32 v31, v26  }
0xa7: {  	v4 =	vmovc v8;
	v5 =	vmul.f32 $2.560000000e+02, v30;
	v12 =	vadd.f32 $2.555000000e+02, v12;
	[tilespmem:v17+s3+$0x0] =	vst.idx.add.f32.msk vm1, v24;
	v17 =	vmul.f32 v13, v31  }
0xa8: {  	v2 =	vmovc v7;
	v18 =	vmul.f32 v18, v31;
	v8 =	vadd.f32 $2.555000000e+02, v21;
	v21 =	vtrunc.f32 v23;
	[tilespmem:v34+s3+$0x0] =	vst.idx.add.f32.msk vm2, v35  }
0xa9: {  	p5 =	slt.s32 s31, s24;
	s6 =	sadd.s32 $0x1, s31;
	v5 =	vadd.f32 $2.555000000e+02, v5;
	v7 =	vtrunc.f32 v12;
	v21 =	vcvt.f32.s32 v21;
	[tilespmem:v6+s3+$0x0] =	vst.idx.add.f32.msk vm2, v20  }
0xaa: {  	[tilespmem:v11+s3+$0x0] =	vst.idx.add.f32.msk vm2, v36;
	vm2 =	vmmov vm0  }
0xab: {  	p6 =	slt.s32 s6, s24;
	s6 =	sadd.s32 $0x2, s31;
	v6 =	vtrunc.f32 v8;
	v7 =	vcvt.f32.s32 v7;
	vm2 =	vmneg @p5 vm2  }
0xac: {  	vm3 =	vmmov vm0;
	v11 =	vtrunc.f32 v5;
	[tilespmem:v16+s3+$0x0] =	vst.idx.add.f32.msk vm1, v19;
	vm1 =	vmmov vm0  }
0xad: {  	p5 =	slt.s32 s6, s24;
	v20 =	vcvt.s32.f32 v21;
	v6 =	vcvt.f32.s32 v6;
	vm1 =	vmneg @p6 vm1  }
0xae: {  	v13 =	vmul.f32 v13, v22;
	vm3 =	vmneg @p5 vm3;
	v16 =	vcvt.s32.f32 v7  }
0xaf: {  	v11 =	vcvt.f32.s32 v11;
	v19 =	vsub.f32 v23, v20;
	v20 =	vcvt.s32.f32 v6  }
0xb0: {  	v22 =	vadd.s32 $0xFFFFFF00, v6;
	v6 =	vadd.s32 $0xFFFFFF01, v6;
	v12 =	vsub.f32 v12, v16  }
0xb1: {  	v16 =	vcvt.s32.f32 v11;
	vm5 =	vgt.s32 v22, $0x0;
	v19 =	vmul.f32 $3.141592740e+00, v19;
	[tilespmem:v14+s3+$0x0] =	vst.idx.add.f32.msk vm4, v13  }
0xb2: {  	v8 =	vsub.f32 v8, v20;
	v12 =	vmul.f32 $3.141592740e+00, v12;
	v14 =	vadd.s32 $0xFFFFFF00, v11;
	[tilespmem:v15+s3+$0x0] =	vst.idx.add.f32.msk vm4, v33  }
0xb3: {  	v5 =	vsub.f32 v5, v16;
	v13 =	vadd.f32 $-1.570796370e+00, v19;
	v15 =	vadd.s32 $0xFFFFFF01, v11;
	[tilespmem:v9+s3+$0x0] =	vst.idx.add.f32.msk vm4, v17  }
0xb4: {  	vm7 =	vlt.s32 v6, $0xFF;
	v8 =	vmul.f32 $3.141592740e+00, v8;
	v9 =	vadd.f32 $-1.570796370e+00, v12;
	[tilespmem:v10+s3+$0x0] =	vst.idx.add.f32.msk vm4, v18  }
0xb5: {  	v5 =	vmul.f32 $3.141592740e+00, v5;
	v11 =	vnsel vm7, $0xFF, v6;
	v10 =	vmul.f32 v13, v13  }
0xb6: {  	v16 =	vadd.f32 $-1.570796370e+00, v8;
	vm4 =	vgt.s32 v14, $0x0;
	v8 =	vmul.f32 v9, v9  }
0xb7: {  	vm6 =	vlt.s32 v15, $0xFF;
	v20 =	vadd.f32 $-1.570796370e+00, v5;
	v5 =	vmul.f32 $3.785384590e-03, v10  }
0xb8: {  	s6 =	sadd.s32 $0x3, s31;
	s31 =	smov.u32 s0;
	v12 =	vnsel vm5, $0x0, v22;
	v17 =	vmul.f32 v16, v16;
	v18 =	vmul.f32 $3.785384590e-03, v8  }
0xb9: {  	p5 =	slt.s32 s6, s24;
	vm5 =	vmmov vm0;
	v19 =	vmul.f32 v20, v20;
	v5 =	vadd.f32 $-8.295372120e-02, v5  }
0xba: {  	vm5 =	vmneg @p5 vm5;
	v22 =	vmul.f32 $3.785384590e-03, v17;
	v6 =	vadd.f32 $-8.295372120e-02, v18  }
0xbb: {  	v18 =	vadd.s32 $0xFFFFFF00, v21;
	v5 =	vmul.f32 v5, v10;
	v10 =	vadd.s32 $0xFFFFFF01, v21  }
0xbc: {  	v21 =	vadd.s32 $0xFFFFFF00, v7;
	v7 =	vadd.s32 $0xFFFFFF01, v7;
	v6 =	vmul.f32 v6, v8  }
0xbd: {  	vm7 =	vgt.s32 v18, $0x0;
	vm8 =	vlt.s32 v10, $0xFF;
	v5 =	vadd.f32 $4.999447170e-01, v5  }
0xbe: {  	vm9 =	vgt.s32 v21, $0x0;
	vm10 =	vlt.s32 v7, $0xFF;
	v6 =	vadd.f32 $4.999447170e-01, v6  }
0xbf: {  	v8 =	vnsel vm7, $0x0, v18;
	v23 =	vnsel vm9, $0x0, v21;
	v5 =	vmul.f32 v5, v13  }
0xc0: {  	v10 =	vnsel vm8, $0xFF, v10;
	v18 =	vshll.u32 v23, $0x8;
	v9 =	vmul.f32 v6, v9  }
0xc1: {  	v24 =	vnsel vm10, $0xFF, v7;
	v7 =	vadd.s32 v18, v8;
	v6 =	vsub.f32 $5.000000000e-01, v5  }
0xc2: {  	v21 =	vadd.s32 v18, v10;
	v13 =	vsub.f32 $5.000000000e-01, v9;
	v9 =	vshll.u32 v24, $0x8  }
0xc3: {  	v25 =	vmul.f32 $3.785384590e-03, v19;
	v5 =	vsub.f32 $1.000000000e+00, v6;
	v26 =	vadd.s32 v9, v8  }
0xc4: {  	v9 =	vadd.s32 v9, v10;
	v18 =	vsub.f32 $1.000000000e+00, v13;
	v27 =	vmul.f32 v6, v13  }
0xc5: {  	v22 =	vadd.f32 $-8.295372120e-02, v22;
	v25 =	vadd.f32 $-8.295372120e-02, v25;
	v28 =	vmul.f32 v5, v13  }
0xc6: {  	v15 =	vnsel vm6, $0xFF, v15;
	v14 =	vnsel vm4, $0x0, v14;
	[tilespmem:v7+s3+$0x0] =	vst.idx.add.f32.msk vm5, v27;
	v7 =	vmul.f32 v6, v18  }
0xc7: {  	v17 =	vmul.f32 v22, v17;
	v22 =	vshll.u32 v12, $0x8;
	[tilespmem:v21+s3+$0x0] =	vst.idx.add.f32.msk vm5, v28;
	v21 =	vmul.f32 v5, v18  }
0xc8: {  	v29 =	vshll.u32 v14, $0x8;
	v19 =	vmul.f32 v25, v19;
	v27 =	vshll.u32 v11, $0x8;
	[tilespmem:v26+s3+$0x0] =	vst.idx.add.f32.msk vm5, v7  }
0xc9: {  	v17 =	vadd.f32 $4.999447170e-01, v17;
	v8 =	vshll.u32 v8, $0x8;
	v26 =	vshll.u32 v15, $0x8;
	[tilespmem:v9+s3+$0x0] =	vst.idx.add.f32.msk vm5, v21  }
0xca: {  	v7 =	vshll.u32 v10, $0x8;
	v9 =	vadd.f32 $4.999447170e-01, v19;
	v21 =	vadd.s32 v22, v14  }
.Ltmp4:
0xcb: {  	v10 =	vmul.f32 v17, v16;
	v17 =	vadd.s32 v27, v14;
	v19 =	vadd.s32 v22, v15;
	(pc) =	sbr.rel @p4 .LBB2_7-.Ltmp4, $4  }
0xcc: {  	s1 =	sadd.s32 $0x800, s1;
	v16 =	vadd.s32 v27, v15;
	v14 =	vadd.s32 v29, v23;
	v20 =	vmul.f32 v9, v20  }
0xcd: {  	v15 =	vadd.s32 v29, v24;
	v25 =	vsub.f32 $5.000000000e-01, v10;
	v9 =	vadd.s32 v26, v23;
	v28 =	vld [tilespmem:s1+$0x400]  }
0xce: {  	v10 =	vadd.s32 v26, v24;
	v23 =	vadd.s32 v4, v12;
	v22 =	vsub.f32 $5.000000000e-01, v20;
	v29 =	vld [tilespmem:s1+$0x200]  }
0xcf: {  	s0 =	sadd.s32 $0x4, s0;
	v26 =	vsub.f32 $1.000000000e+00, v25;
	v24 =	vmul.f32 v25, v1;
	v20 =	vmul.f32 v25, v3;
	v27 =	vld [tilespmem:s1+$0xFFFFFE00]  }
0xd0: {  	v30 =	vsub.f32 $1.000000000e+00, v22;
	v31 =	vmul.f32 v22, v25;
	v32 =	vmul.f32 v18, v22  }
0xd1: {  	vm5 =	vmmov vm3;
	v4 =	vadd.s32 v4, v11;
	v12 =	vadd.s32 v2, v12  }
0xd2: {  	v33 =	vld [tilespmem:s1+$0x0];
	v2 =	vadd.s32 v2, v11;
	v1 =	vmul.f32 v26, v1;
	v3 =	vmul.f32 v26, v3  }
0xd3: {  	vm3 =	vmmov vm0;
	v36 =	vmul.f32 v22, v26;
	v28 =	vmul.f32 $2.560000000e+02, v28  }
0xd4: {  	vm4 =	vmmov vm0;
	v62 =	vmul.f32 v30, v25;
	v29 =	vmul.f32 $2.560000000e+02, v29  }
0xd5: {  	v26 =	vmul.f32 v30, v26;
	v39 =	vmul.f32 v13, v30;
	v28 =	vadd.f32 $2.555000000e+02, v28  }
0xd6: {  	p4 =	slt.s32 s31, s24;
	v18 =	vmul.f32 v18, v30;
	v27 =	vmul.f32 $2.560000000e+02, v27;
	v29 =	vadd.f32 $2.555000000e+02, v29  }
0xd7: {  	vm3 =	vmneg @p4 vm3;
	v33 =	vmul.f32 $2.560000000e+02, v33;
	v34 =	vtrunc.f32 v28  }
0xd8: {  	s0 =	sadd.s32 $0x1, s31;
	[tilespmem:v21+s3+$0x0] =	vst.idx.add.f32.msk vm1, v31;
	v27 =	vadd.f32 $2.555000000e+02, v27;
	v35 =	vtrunc.f32 v29;
	v34 =	vcvt.f32.s32 v34  }
0xd9: {  	p4 =	slt.s32 s0, s24;
	v13 =	vmul.f32 v13, v22;
	[tilespmem:v19+s3+$0x0] =	vst.idx.add.f32.msk vm1, v62;
	v63 =	vadd.f32 $2.555000000e+02, v33;
	v35 =	vcvt.f32.s32 v35  }
0xda: {  	vm4 =	vmneg @p4 vm4;
	[tilespmem:v17+s3+$0x0] =	vst.idx.add.f32.msk vm1, v36;
	v42 =	vtrunc.f32 v27;
	v37 =	vcvt.s32.f32 v34  }
0xdb: {  	[tilespmem:v16+s3+$0x0] =	vst.idx.add.f32.msk vm1, v26;
	vm1 =	vmmov vm0;
	v43 =	vtrunc.f32 v63;
	v33 =	vcvt.f32.s32 v42  }
0xdc: {  	v55 =	vadd.s32 $0xFFFFFF00, v34;
	v34 =	vadd.s32 $0xFFFFFF01, v34;
	v38 =	vcvt.s32.f32 v35  }
0xdd: {  	v11 =	vcvt.f32.s32 v43;
	v54 =	vadd.s32 $0xFFFFFF00, v35;
	v56 =	vadd.s32 $0xFFFFFF01, v35  }
0xde: {  	vm13 =	vgt.s32 v55, $0x0;
	vm14 =	vlt.s32 v34, $0xFF;
	v28 =	vsub.f32 v28, v37  }
0xdf: {  	v44 =	vcvt.s32.f32 v33;
	v40 =	vadd.s32 $0xFFFFFF00, v33;
	v47 =	vadd.s32 $0xFFFFFF01, v33  }
0xe0: {  	vm12 =	vgt.s32 v54, $0x0;
	v57 =	vnsel vm13, $0x0, v55;
	vm9 =	vlt.s32 v56, $0xFF  }
0xe1: {  	v58 =	vnsel vm14, $0xFF, v34;
	v29 =	vsub.f32 v29, v38;
	v41 =	vcvt.s32.f32 v11  }
0xe2: {  	v43 =	vadd.s32 $0xFFFFFF00, v11;
	v11 =	vadd.s32 $0xFFFFFF01, v11;
	v28 =	vmul.f32 $3.141592740e+00, v28  }
0xe3: {  	vm7 =	vgt.s32 v40, $0x0;
	v22 =	vsub.f32 v27, v44;
	v29 =	vmul.f32 $3.141592740e+00, v29  }
0xe4: {  	vm8 =	vlt.s32 v47, $0xFF;
	v30 =	vsub.f32 v63, v41;
	v28 =	vadd.f32 $-1.570796370e+00, v28  }
0xe5: {  	v31 =	vnsel vm12, $0x0, v54;
	v22 =	vmul.f32 $3.141592740e+00, v22;
	v29 =	vadd.f32 $-1.570796370e+00, v29  }
0xe6: {  	v21 =	vnsel vm9, $0xFF, v56;
	v30 =	vmul.f32 $3.141592740e+00, v30;
	v45 =	vmul.f32 v28, v28  }
0xe7: {  	vm6 =	vgt.s32 v43, $0x0;
	v22 =	vadd.f32 $-1.570796370e+00, v22;
	v46 =	vmul.f32 v29, v29  }
0xe8: {  	v40 =	vnsel vm7, $0x0, v40;
	v30 =	vadd.f32 $-1.570796370e+00, v30;
	v48 =	vmul.f32 $3.785384590e-03, v45  }
0xe9: {  	v27 =	vnsel vm8, $0xFF, v47;
	v51 =	vmul.f32 v22, v22;
	v42 =	vmul.f32 $3.785384590e-03, v46  }
0xea: {  	vm7 =	vmmov vm0;
	v52 =	vmul.f32 v30, v30;
	v33 =	vadd.f32 $-8.295372120e-02, v48  }
0xeb: {  	s6 =	sadd.s32 $0x3, s31;
	[tilespmem:v23+s3+$0x0] =	vst.idx.add.f32.msk vm2, v24;
	vm15 =	vlt.s32 v11, $0xFF;
	v53 =	vmul.f32 $3.785384590e-03, v51;
	v49 =	vadd.f32 $-8.295372120e-02, v42  }
0xec: {  	p4 =	slt.s32 s6, s24;
	[tilespmem:v4+s3+$0x0] =	vst.idx.add.f32.msk vm2, v1;
	v60 =	vshll.u32 v31, $0x8;
	v59 =	vmul.f32 $3.785384590e-03, v52;
	v33 =	vmul.f32 v33, v45  }
0xed: {  	[tilespmem:v12+s3+$0x0] =	vst.idx.add.f32.msk vm2, v20;
	vm7 =	vmneg @p4 vm7;
	v1 =	vadd.f32 $-8.295372120e-02, v53;
	v50 =	vmul.f32 v49, v46  }
0xee: {  	[tilespmem:v2+s3+$0x0] =	vst.idx.add.f32.msk vm2, v3;
	v2 =	vadd.s32 v60, v57;
	v62 =	vadd.f32 $-8.295372120e-02, v59;
	v33 =	vadd.f32 $4.999447170e-01, v33  }
0xef: {  	[tilespmem:v14+s3+$0x0] =	vst.idx.add.f32.msk vm5, v13;
	v4 =	vadd.s32 v60, v58;
	v1 =	vmul.f32 v1, v51;
	v37 =	vadd.f32 $4.999447170e-01, v50  }
0xf0: {  	[tilespmem:v15+s3+$0x0] =	vst.idx.add.f32.msk vm5, v32;
	v38 =	vnsel vm6, $0x0, v43;
	v63 =	vmul.f32 v62, v52;
	v28 =	vmul.f32 v33, v28  }
0xf1: {  	[tilespmem:v9+s3+$0x0] =	vst.idx.add.f32.msk vm5, v39;
	v39 =	vshll.u32 v40, $0x8;
	v1 =	vadd.f32 $4.999447170e-01, v1;
	v29 =	vmul.f32 v37, v29  }
0xf2: {  	v43 =	vadd.s32 v39, v38;
	v35 =	vadd.f32 $4.999447170e-01, v63;
	v61 =	vsub.f32 $5.000000000e-01, v28  }
0xf3: {  	v28 =	vshll.u32 v21, $0x8;
	v1 =	vmul.f32 v1, v22;
	v3 =	vsub.f32 $5.000000000e-01, v29  }
0xf4: {  	v23 =	vadd.s32 v28, v57;
	v14 =	vmul.f32 v35, v30;
	v29 =	vsub.f32 $1.000000000e+00, v61  }
0xf5: {  	v36 =	vadd.s32 v28, v58;
	v33 =	vsub.f32 $1.000000000e+00, v3;
	v34 =	vmul.f32 v61, v3  }
0xf6: {  	[tilespmem:v10+s3+$0x0] =	vst.idx.add.f32.msk vm5, v18;
	v1 =	vsub.f32 $5.000000000e-01, v1;
	v44 =	vsub.f32 $5.000000000e-01, v14;
	v37 =	vmul.f32 v29, v3  }
0xf7: {  	v41 =	vnsel vm15, $0xFF, v11;
	v42 =	vmul.f32 v61, v33;
	[tilespmem:v2+s3+$0x0] =	vst.idx.add.f32.msk vm7, v34;
	v2 =	vadd.s32 v8, v40  }
0xf8: {  	v9 =	vadd.s32 v39, v41;
	v46 =	vshll.u32 v27, $0x8;
	v49 =	vmul.f32 v44, v1;
	[tilespmem:v4+s3+$0x0] =	vst.idx.add.f32.msk vm7, v37  }
0xf9: {  	s31 =	sadd.s32 $0x2, s31;
	v47 =	vadd.s32 v46, v38;
	v45 =	vmul.f32 v29, v33;
	v48 =	vsub.f32 $1.000000000e+00, v44;
	[tilespmem:v23+s3+$0x0] =	vst.idx.add.f32.msk vm7, v42  }
0xfa: {  	p4 =	slt.s32 s31, s24;
	v52 =	vadd.s32 v8, v27;
	v50 =	vsub.f32 $1.000000000e+00, v1;
	v51 =	vmul.f32 v1, v6;
	[tilespmem:v43+s3+$0x0] =	vst.idx.add.f32.msk vm4, v49  }
0xfb: {  	vm1 =	vmneg @p4 vm1;
	v53 =	vadd.s32 v7, v40;
	v54 =	vmul.f32 v48, v1;
	[tilespmem:v36+s3+$0x0] =	vst.idx.add.f32.msk vm7, v45  }
0xfc: {  	v55 =	vshll.u32 v38, $0x8;
	v56 =	vmul.f32 v44, v50;
	[tilespmem:v2+s3+$0x0] =	vst.idx.add.f32.msk vm3, v51;
	v2 =	vadd.s32 v7, v27  }
0xfd: {  	vm1 =	vmmov vm1;
	v14 =	vadd.s32 v46, v41;
	v57 =	vmul.f32 v50, v6;
	[tilespmem:v9+s3+$0x0] =	vst.idx.add.f32.msk vm4, v54  }
0xfe: {  	v58 =	vadd.s32 v55, v31;
	v1 =	vmul.f32 v1, v5;
	[tilespmem:v47+s3+$0x0] =	vst.idx.add.f32.msk vm4, v56  }
0xff: {  	v60 =	vadd.s32 v55, v21;
	v59 =	vshll.u32 v41, $0x8;
	v61 =	vmul.f32 v50, v5;
	[tilespmem:v52+s3+$0x0] =	vst.idx.add.f32.msk vm3, v57  }
0x100: {  	s30 =	sadd.s32 $0x1, s30;
	v62 =	vadd.s32 v59, v31;
	v4 =	vmul.f32 v48, v50;
	[tilespmem:v53+s3+$0x0] =	vst.idx.add.f32.msk vm3, v1  }
0x101: {  	p4 =	sne.s32 s30, $0x20;
	v1 =	vadd.s32 v59, v21;
	[tilespmem:v2+s3+$0x0] =	vst.idx.add.f32.msk vm3, v61;
	v2 =	vmul.f32 v3, v44  }
.Ltmp5:
0x102: {  	v63 =	vmul.f32 v33, v44;
	[tilespmem:v14+s3+$0x0] =	vst.idx.add.f32.msk vm4, v4;
	(pc) =	sbr.rel @p4 .LBB2_6-.Ltmp5, $4  }
0x103: {  	v3 =	vmul.f32 v3, v48;
	[tilespmem:v58+s3+$0x0] =	vst.idx.add.f32.msk vm1, v2  }
0x104: {  	v2 =	vmul.f32 v33, v48;
	[tilespmem:v60+s3+$0x0] =	vst.idx.add.f32.msk vm1, v63  }
0x105: {  	[tilespmem:v62+s3+$0x0] =	vst.idx.add.f32.msk vm1, v3  }
0x106: {  	s29 =	sadd.s32 $0x10, s29;
	s28 =	sadd.s32 $0x1, s28;
	[tilespmem:v1+s3+$0x0] =	vst.idx.add.f32.msk vm1, v2  }
0x107: {  	s23 =	sadd.s32 $0x1, s23  }
0x108: {  	p4 =	sne.s32 s23, s8  }
.Ltmp6:
0x109: {  	_ = 	snop;
	(pc) =	sbr.rel @p4 .LBB2_5-.Ltmp6, $2  }
0x10a: {  	_ =	sdelay $0x2  }
0x10b: {  	s22 =	sadd.s32 $0x8000, s22;
	s21 =	sadd.s32 $0x40, s21  }
.LBB2_10:
.Ltmp7:
0x10c: {  	(pc) =	sbr.rel @p2 .LBB2_20-.Ltmp7, $4  }
0x10d: {  	[hbm4b:s13+s3] =	stream.linear.scatter [tilespmem:s3], [sflag:$0x1], $0x10000, $0x38;
	[tilespmem:$0x18200] =	vst v63  }
0x10e: {  	_ =	swait.ge [sflag:s12], $0x10000  }
0x10f: {  	[sflag:s12] =	ssyncset.done $0x0  }
0x110: {  	[sflag:s12] =	ssyncadd.s32 $0xFFFF0000  }
0x111: {  	s0 =	simm.s32 $0x40  }
0x112: {  	[tilespmem:s0+$0xFFFFFFC0] =	vst v0  }
0x113: {  	[tilespmem:s0+$0x30] =	vst v0  }
0x114: {  	[tilespmem:s0+$0x20] =	vst v0  }
0x115: {  	[tilespmem:s0+$0x10] =	vst v0  }
0x116: {  	[tilespmem:s0+$0x0] =	vst v0  }
0x117: {  	[tilespmem:s0+$0xFFFFFFF0] =	vst v0  }
0x118: {  	s1 =	simm.s32 $0x0;
	[tilespmem:s0+$0xFFFFFFE0] =	vst v0  }
.LBB2_12:
0x119: {  	s1 =	sadd.s32 $0x8, s1;
	[tilespmem:s0+$0xFFFFFFD0] =	vst v0;
	s0 =	sadd.s32 $0x80, s0  }
0x11a: {  	[tilespmem:s0+$0xFFFFFFC0] =	vst v0;
	p4 =	slt.u32 s1, $0xFF8  }
0x11b: {  	[tilespmem:s0+$0x30] =	vst v0  }
.Ltmp8:
0x11c: {  	[tilespmem:s0+$0x20] =	vst v0;
	(pc) =	sbr.rel @p4 .LBB2_12-.Ltmp8, $4  }
0x11d: {  	[tilespmem:s0+$0x10] =	vst v0  }
0x11e: {  	[tilespmem:s0+$0x0] =	vst v0  }
0x11f: {  	[tilespmem:s0+$0xFFFFFFF0] =	vst v0  }
0x120: {  	[tilespmem:s0+$0xFFFFFFE0] =	vst v0  }
.Ltmp9:
0x121: {  	(pc) =	sbr.rel @p3 .LBB2_19-.Ltmp9, $3  }
0x122: {  	_ =	sdelay $0x1  }
0x123: {  	s20 =	simm.s32 $0x10400  }
0x124: {  	[tilespmem:s0+$0xFFFFFFD0] =	vst v0;
	s21 =	simm.s32 $0x0;
	s22 =	simm.s32 $0x0;
	s23 =	simm.s32 $0x0  }
.LBB2_14:
0x125: {  	s0 =	sshll.u32 s23, $0x6;
	s6 =	smov.u32 s22;
	s26 =	smov.u32 s9  }
0x126: {  	s28 =	simm.s32 $0x0;
	p4 =	slt.s32 s0, $0x1BF;
	s1 =	smov.u32 s0  }
0x127: {  	s29 =	simm.s32 $0x0;
	s30 =	simm.s32 $0x0;
	s1 =	simm.s32 @!p4 $0x1BF  }
0x128: {  	s25 =	sadd.s32 $0x40, s0;
	p4 =	slt.s32 s22, $0x1BF;
	s24 =	sshll.u32 s1, $0x9  }
0x129: {  	s6 =	simm.s32 @!p4 $0x1BF;
	p4 =	slt.s32 s25, s9;
	s24 =	sadd.s32 s10, s24  }
0x12a: {  	s1 =	ssub.s32 s0, s1;
	s6 =	sshll.u32 s6, $0xB;
	s24 =	sshrl.u32 s24, $0x3  }
0x12b: {  	s26 =	smov.u32 @p4 s25;
	s6 =	ssub.s32 $0x0, s6;
	s24 =	sadd.s32 s2, s24  }
0x12c: {  	[tilespmem:s18], [sflag:$0x1] =	stream.linear.gather [hbm4b:s24+s21], $0x8200, $0x38;
	[tilespmem:$0x18200] =	vst v63  }
0x12d: {  	s24 =	ssub.s32 s26, s0;
	s26 =	sshll.u32 s1, $0xB;
	_ =	swait.ge [sflag:s12], $0x8200  }
0x12e: {  	s31 =	sshra.s32 s6, $0x2;
	s0 =	sshra.s32 s26, $0x2;
	[sflag:s12] =	ssyncset.done $0x0  }
0x12f: {  	s26 =	sadd.s32 s31, s20;
	s25 =	sadd.s32 $0x10000, s0;
	[sflag:s12] =	ssyncadd.s32 $0xFFFF7E00  }
.LBB2_15:
0x130: {  	s0 =	sshll.u32 s30, $0x4  }
0x131: {  	s1 =	sand.u32 $0x180, s0  }
0x132: {  	s0 =	sand.u32 $0x70, s0;
	s1 =	sadd.s32 s1, s25  }
0x133: {  	s0 =	sadd.s32 s0, s1  }
0x134: {  	v1 =	vld [tilespmem:s0+$0x0];
	_ =	sdelay $0x4  }
0x135: {  	v1 =	vmul.f32 $2.560000000e+02, v1;
	_ =	sdelay $0x1  }
0x136: {  	v1 =	vadd.f32 $2.555000000e+02, v1;
	_ =	sdelay $0x1  }
0x137: {  	v2 =	vtrunc.f32 v1  }
0x138: {  	v2 =	vcvt.f32.s32 v2;
	_ =	sdelay $0x1  }
0x139: {  	v3 =	vcvt.s32.f32 v2  }
0x13a: {  	s6 =	sand.u32 $0x7, s28;
	s1 =	sshll.u32 s29, $0x2  }
0x13b: {  	s0 =	sand.u32 $0xFFFFFE00, s1;
	s1 =	sshll.u32 s6, $0x6;
	v1 =	vsub.f32 v1, v3  }
0x13c: {  	s0 =	sor.u32 s1, s0  }
0x13d: {  	s0 =	sshrl.u32 s0, $0x2;
	v1 =	vmul.f32 $3.141592740e+00, v1  }
0x13e: {  	s0 =	sadd.s32 s0, s26  }
0x13f: {  	v5 =	vld [tilespmem:s0+$0x200];
	v1 =	vadd.f32 $-1.570796370e+00, v1  }
0x140: {  	v6 =	vld [tilespmem:s0+$0x0]  }
0x141: {  	v3 =	vmul.f32 v1, v1;
	_ =	sdelay $0x1  }
0x142: {  	v4 =	vmul.f32 $3.785384590e-03, v3  }
0x143: {  	v5 =	vmul.f32 $2.560000000e+02, v5  }
0x144: {  	v6 =	vmul.f32 $2.560000000e+02, v6;
	v4 =	vadd.f32 $-8.295372120e-02, v4  }
0x145: {  	v5 =	vadd.f32 $2.555000000e+02, v5  }
0x146: {  	v6 =	vadd.f32 $2.555000000e+02, v6;
	v3 =	vmul.f32 v4, v3  }
0x147: {  	v10 =	vtrunc.f32 v5  }
0x148: {  	v12 =	vtrunc.f32 v6;
	v10 =	vcvt.f32.s32 v10;
	v4 =	vld [tilespmem:s0+$0x400];
	v3 =	vadd.f32 $4.999447170e-01, v3  }
0x149: {  	v12 =	vcvt.f32.s32 v12  }
0x14a: {  	v14 =	vcvt.s32.f32 v10;
	v1 =	vmul.f32 v3, v1;
	v3 =	vld [tilespmem:s0+$0xFFFFFE00];
	_ =	sdelay $0x1  }
0x14b: {  	p4 =	sgt.s32 s24, $0x0;
	vm2 =	vmmov vm0;
	v5 =	vsub.f32 v5, v14;
	v14 =	vcvt.s32.f32 v12  }
0x14c: {  	vm3 =	vmmov vm0;
	vm2 =	vmneg @p4 vm2;
	v4 =	vmul.f32 $2.560000000e+02, v4  }
0x14d: {  	v7 =	vadd.s32 $0xFFFFFF00, v2;
	v2 =	vadd.s32 $0xFFFFFF01, v2;
	v6 =	vsub.f32 v6, v14  }
0x14e: {  	vm1 =	vgt.s32 v7, $0x0;
	v9 =	vadd.f32 $2.555000000e+02, v4;
	v8 =	vmul.f32 $2.560000000e+02, v3  }
0x14f: {  	v7 =	vnsel vm1, $0x0, v7;
	vm1 =	vlt.s32 v2, $0xFF;
	v6 =	vmul.f32 $3.141592740e+00, v6  }
0x150: {  	v4 =	vshll.u32 v7, $0x8;
	v7 =	vadd.f32 $2.555000000e+02, v8;
	v8 =	vtrunc.f32 v9  }
0x151: {  	p4 =	sgt.s32 s24, $0x1;
	v2 =	vnsel vm1, $0xFF, v2;
	vm1 =	vmmov vm0;
	v8 =	vcvt.f32.s32 v8  }
0x152: {  	v2 =	vshll.u32 v2, $0x8;
	vm1 =	vmneg @p4 vm1;
	v20 =	vadd.f32 $-1.570796370e+00, v6  }
0x153: {  	p4 =	sgt.s32 s24, $0x2;
	v16 =	vadd.s32 $0xFFFFFF00, v12;
	v11 =	vtrunc.f32 v7;
	v13 =	vcvt.s32.f32 v8  }
0x154: {  	vm3 =	vmneg @p4 vm3;
	v21 =	vmul.f32 v20, v20;
	v11 =	vcvt.f32.s32 v11  }
0x155: {  	vm5 =	vgt.s32 v16, $0x0;
	v5 =	vmul.f32 $3.141592740e+00, v5;
	v9 =	vsub.f32 v9, v13  }
0x156: {  	v16 =	vnsel vm5, $0x0, v16;
	v25 =	vmul.f32 $3.785384590e-03, v21;
	v13 =	vcvt.s32.f32 v11  }
0x157: {  	v30 =	vshll.u32 v16, $0x8;
	v5 =	vadd.f32 $-1.570796370e+00, v5;
	v9 =	vmul.f32 $3.141592740e+00, v9  }
0x158: {  	v14 =	vadd.s32 $0xFFFFFF01, v12;
	v25 =	vadd.f32 $-8.295372120e-02, v25;
	v7 =	vsub.f32 v7, v13  }
0x159: {  	vm6 =	vlt.s32 v14, $0xFF;
	v1 =	vsub.f32 $5.000000000e-01, v1;
	v9 =	vadd.f32 $-1.570796370e+00, v9  }
0x15a: {  	v14 =	vnsel vm6, $0xFF, v14;
	v21 =	vmul.f32 v25, v21;
	v7 =	vmul.f32 $3.141592740e+00, v7  }
0x15b: {  	v3 =	vsub.f32 $1.000000000e+00, v1;
	v18 =	vadd.s32 $0xFFFFFF00, v8;
	v13 =	vmul.f32 v9, v9  }
0x15c: {  	v15 =	vadd.s32 $0xFFFFFF00, v11;
	v17 =	vadd.f32 $-1.570796370e+00, v7;
	v7 =	vmul.f32 v5, v5  }
0x15d: {  	v8 =	vadd.s32 $0xFFFFFF01, v8;
	vm4 =	vgt.s32 v15, $0x0;
	v6 =	vmul.f32 $3.785384590e-03, v13  }
0x15e: {  	vm15 =	vgt.s32 v18, $0x0;
	v12 =	vnsel vm4, $0x0, v15;
	v15 =	vmul.f32 $3.785384590e-03, v7  }
0x15f: {  	vm8 =	vlt.s32 v8, $0xFF;
	v11 =	vadd.s32 $0xFFFFFF01, v11;
	v6 =	vadd.f32 $-8.295372120e-02, v6  }
0x160: {  	vm7 =	vlt.s32 v11, $0xFF;
	v19 =	vmul.f32 v17, v17;
	v15 =	vadd.f32 $-8.295372120e-02, v15  }
0x161: {  	p4 =	sgt.s32 s24, $0x3;
	v11 =	vnsel vm7, $0xFF, v11;
	vm4 =	vmmov vm0;
	v6 =	vmul.f32 v6, v13  }
0x162: {  	vm4 =	vmneg @p4 vm4;
	v22 =	vmul.f32 $3.785384590e-03, v19;
	v7 =	vmul.f32 v15, v7  }
0x163: {  	v13 =	vadd.s32 $0xFFFFFF00, v10;
	v10 =	vadd.s32 $0xFFFFFF01, v10;
	v6 =	vadd.f32 $4.999447170e-01, v6  }
0x164: {  	v15 =	vnsel vm8, $0xFF, v8;
	vm9 =	vgt.s32 v13, $0x0;
	v7 =	vadd.f32 $4.999447170e-01, v7  }
0x165: {  	v22 =	vadd.f32 $-8.295372120e-02, v22;
	v23 =	vnsel vm9, $0x0, v13;
	v6 =	vmul.f32 v6, v9  }
0x166: {  	v9 =	vnsel vm15, $0x0, v18;
	v5 =	vmul.f32 v7, v5;
	v7 =	vshll.u32 v23, $0x8  }
0x167: {  	vm10 =	vlt.s32 v10, $0xFF;
	v8 =	vadd.s32 v7, v9;
	v6 =	vsub.f32 $5.000000000e-01, v6  }
0x168: {  	v10 =	vnsel vm10, $0xFF, v10;
	v7 =	vadd.s32 v7, v15;
	v13 =	vsub.f32 $5.000000000e-01, v5  }
0x169: {  	v19 =	vmul.f32 v22, v19;
	v24 =	vshll.u32 v10, $0x8;
	v5 =	vsub.f32 $1.000000000e+00, v6  }
0x16a: {  	v26 =	vadd.s32 v24, v9;
	v18 =	vsub.f32 $1.000000000e+00, v13;
	v27 =	vmul.f32 v6, v13  }
0x16b: {  	v22 =	vshll.u32 v12, $0x8;
	v24 =	vadd.s32 v24, v15;
	v28 =	vmul.f32 v5, v13  }
0x16c: {  	v29 =	vmul.f32 v6, v18;
	[tilespmem:v8+s3+$0x0] =	vst.idx.add.f32.msk vm4, v27;
	v27 =	vmul.f32 v5, v18;
	v8 =	vshll.u32 v9, $0x8  }
0x16d: {  	v9 =	vadd.f32 $4.999447170e-01, v19;
	v19 =	vadd.s32 v22, v14;
	[tilespmem:v7+s3+$0x0] =	vst.idx.add.f32.msk vm4, v28;
	v28 =	vshll.u32 v11, $0x8  }
0x16e: {  	v7 =	vshll.u32 v15, $0x8;
	v15 =	vadd.f32 $4.999447170e-01, v21;
	v21 =	vadd.s32 v22, v16  }
0x16f: {  	s1 =	sadd.s32 $0x800, s0;
	v9 =	vmul.f32 v9, v17;
	[tilespmem:v26+s3+$0x0] =	vst.idx.add.f32.msk vm4, v29;
	v26 =	vshll.u32 v14, $0x8;
	v17 =	vadd.s32 v28, v16  }
0x170: {  	v16 =	vadd.s32 v28, v14;
	v14 =	vadd.s32 v30, v23;
	v28 =	vld [tilespmem:s1+$0x400];
	v20 =	vmul.f32 v15, v20  }
0x171: {  	v29 =	vld [tilespmem:s1+$0x200];
	v25 =	vsub.f32 $5.000000000e-01, v9;
	v15 =	vadd.s32 v30, v10;
	v9 =	vadd.s32 v26, v23  }
0x172: {  	[tilespmem:v24+s3+$0x0] =	vst.idx.add.f32.msk vm4, v27;
	v23 =	vadd.s32 v4, v12;
	v10 =	vadd.s32 v26, v10;
	v22 =	vsub.f32 $5.000000000e-01, v20  }
0x173: {  	s31 =	simm.s32 $0x4;
	s0 =	simm.s32 $0x8;
	v27 =	vld [tilespmem:s1+$0xFFFFFE00];
	v26 =	vsub.f32 $1.000000000e+00, v25;
	v24 =	vmul.f32 v25, v1;
	v20 =	vmul.f32 v25, v3  }
.LBB2_16:
0x174: {  	v31 =	vsub.f32 $1.000000000e+00, v22  }
0x175: {  	p4 =	slt.u32 s0, $0x3C;
	v30 =	vld [tilespmem:s1+$0x0];
	v32 =	vmul.f32 v22, v25;
	v33 =	vmul.f32 v18, v22;
	vm4 =	vmmov vm3  }
0x176: {  	v34 =	vadd.s32 v4, v11;
	v35 =	vmul.f32 v26, v1;
	v36 =	vmul.f32 v26, v3;
	v1 =	vmovc v6  }
0x177: {  	v6 =	vadd.s32 v2, v12;
	v28 =	vmul.f32 $2.560000000e+02, v28;
	[tilespmem:v21+s3+$0x0] =	vst.idx.add.f32.msk vm1, v32;
	v25 =	vmul.f32 v31, v25  }
0x178: {  	v11 =	vadd.s32 v2, v11;
	v12 =	vmul.f32 $2.560000000e+02, v29;
	[tilespmem:v23+s3+$0x0] =	vst.idx.add.f32.msk vm2, v24;
	v24 =	vmul.f32 v22, v26  }
0x179: {  	v3 =	vmovc v5;
	v21 =	vmul.f32 $2.560000000e+02, v27;
	v23 =	vadd.f32 $2.555000000e+02, v28;
	[tilespmem:v19+s3+$0x0] =	vst.idx.add.f32.msk vm1, v25;
	v19 =	vmul.f32 v31, v26  }
0x17a: {  	v4 =	vmovc v8;
	v5 =	vmul.f32 $2.560000000e+02, v30;
	v12 =	vadd.f32 $2.555000000e+02, v12;
	[tilespmem:v17+s3+$0x0] =	vst.idx.add.f32.msk vm1, v24;
	v17 =	vmul.f32 v13, v31  }
0x17b: {  	v2 =	vmovc v7;
	v18 =	vmul.f32 v18, v31;
	v8 =	vadd.f32 $2.555000000e+02, v21;
	v21 =	vtrunc.f32 v23;
	[tilespmem:v34+s3+$0x0] =	vst.idx.add.f32.msk vm2, v35  }
0x17c: {  	p5 =	slt.s32 s31, s24;
	s6 =	sadd.s32 $0x1, s31;
	v5 =	vadd.f32 $2.555000000e+02, v5;
	v7 =	vtrunc.f32 v12;
	v21 =	vcvt.f32.s32 v21;
	[tilespmem:v6+s3+$0x0] =	vst.idx.add.f32.msk vm2, v20  }
0x17d: {  	[tilespmem:v11+s3+$0x0] =	vst.idx.add.f32.msk vm2, v36;
	vm2 =	vmmov vm0  }
0x17e: {  	p6 =	slt.s32 s6, s24;
	s6 =	sadd.s32 $0x2, s31;
	v6 =	vtrunc.f32 v8;
	v7 =	vcvt.f32.s32 v7;
	vm2 =	vmneg @p5 vm2  }
0x17f: {  	vm3 =	vmmov vm0;
	v11 =	vtrunc.f32 v5;
	[tilespmem:v16+s3+$0x0] =	vst.idx.add.f32.msk vm1, v19;
	vm1 =	vmmov vm0  }
0x180: {  	p5 =	slt.s32 s6, s24;
	v20 =	vcvt.s32.f32 v21;
	v6 =	vcvt.f32.s32 v6;
	vm1 =	vmneg @p6 vm1  }
0x181: {  	v13 =	vmul.f32 v13, v22;
	vm3 =	vmneg @p5 vm3;
	v16 =	vcvt.s32.f32 v7  }
0x182: {  	v11 =	vcvt.f32.s32 v11;
	v19 =	vsub.f32 v23, v20;
	v20 =	vcvt.s32.f32 v6  }
0x183: {  	v22 =	vadd.s32 $0xFFFFFF00, v6;
	v6 =	vadd.s32 $0xFFFFFF01, v6;
	v12 =	vsub.f32 v12, v16  }
0x184: {  	v16 =	vcvt.s32.f32 v11;
	vm5 =	vgt.s32 v22, $0x0;
	v19 =	vmul.f32 $3.141592740e+00, v19;
	[tilespmem:v14+s3+$0x0] =	vst.idx.add.f32.msk vm4, v13  }
0x185: {  	v8 =	vsub.f32 v8, v20;
	v12 =	vmul.f32 $3.141592740e+00, v12;
	v14 =	vadd.s32 $0xFFFFFF00, v11;
	[tilespmem:v15+s3+$0x0] =	vst.idx.add.f32.msk vm4, v33  }
0x186: {  	v5 =	vsub.f32 v5, v16;
	v13 =	vadd.f32 $-1.570796370e+00, v19;
	v15 =	vadd.s32 $0xFFFFFF01, v11;
	[tilespmem:v9+s3+$0x0] =	vst.idx.add.f32.msk vm4, v17  }
0x187: {  	vm7 =	vlt.s32 v6, $0xFF;
	v8 =	vmul.f32 $3.141592740e+00, v8;
	v9 =	vadd.f32 $-1.570796370e+00, v12;
	[tilespmem:v10+s3+$0x0] =	vst.idx.add.f32.msk vm4, v18  }
0x188: {  	v5 =	vmul.f32 $3.141592740e+00, v5;
	v11 =	vnsel vm7, $0xFF, v6;
	v10 =	vmul.f32 v13, v13  }
0x189: {  	v16 =	vadd.f32 $-1.570796370e+00, v8;
	vm4 =	vgt.s32 v14, $0x0;
	v8 =	vmul.f32 v9, v9  }
0x18a: {  	vm6 =	vlt.s32 v15, $0xFF;
	v20 =	vadd.f32 $-1.570796370e+00, v5;
	v5 =	vmul.f32 $3.785384590e-03, v10  }
0x18b: {  	s6 =	sadd.s32 $0x3, s31;
	s31 =	smov.u32 s0;
	v12 =	vnsel vm5, $0x0, v22;
	v17 =	vmul.f32 v16, v16;
	v18 =	vmul.f32 $3.785384590e-03, v8  }
0x18c: {  	p5 =	slt.s32 s6, s24;
	vm5 =	vmmov vm0;
	v19 =	vmul.f32 v20, v20;
	v5 =	vadd.f32 $-8.295372120e-02, v5  }
0x18d: {  	vm5 =	vmneg @p5 vm5;
	v22 =	vmul.f32 $3.785384590e-03, v17;
	v6 =	vadd.f32 $-8.295372120e-02, v18  }
0x18e: {  	v18 =	vadd.s32 $0xFFFFFF00, v21;
	v5 =	vmul.f32 v5, v10;
	v10 =	vadd.s32 $0xFFFFFF01, v21  }
0x18f: {  	v21 =	vadd.s32 $0xFFFFFF00, v7;
	v7 =	vadd.s32 $0xFFFFFF01, v7;
	v6 =	vmul.f32 v6, v8  }
0x190: {  	vm7 =	vgt.s32 v18, $0x0;
	vm8 =	vlt.s32 v10, $0xFF;
	v5 =	vadd.f32 $4.999447170e-01, v5  }
0x191: {  	vm9 =	vgt.s32 v21, $0x0;
	vm10 =	vlt.s32 v7, $0xFF;
	v6 =	vadd.f32 $4.999447170e-01, v6  }
0x192: {  	v8 =	vnsel vm7, $0x0, v18;
	v23 =	vnsel vm9, $0x0, v21;
	v5 =	vmul.f32 v5, v13  }
0x193: {  	v10 =	vnsel vm8, $0xFF, v10;
	v18 =	vshll.u32 v23, $0x8;
	v9 =	vmul.f32 v6, v9  }
0x194: {  	v24 =	vnsel vm10, $0xFF, v7;
	v7 =	vadd.s32 v18, v8;
	v6 =	vsub.f32 $5.000000000e-01, v5  }
0x195: {  	v21 =	vadd.s32 v18, v10;
	v13 =	vsub.f32 $5.000000000e-01, v9;
	v9 =	vshll.u32 v24, $0x8  }
0x196: {  	v25 =	vmul.f32 $3.785384590e-03, v19;
	v5 =	vsub.f32 $1.000000000e+00, v6;
	v26 =	vadd.s32 v9, v8  }
0x197: {  	v9 =	vadd.s32 v9, v10;
	v18 =	vsub.f32 $1.000000000e+00, v13;
	v27 =	vmul.f32 v6, v13  }
0x198: {  	v22 =	vadd.f32 $-8.295372120e-02, v22;
	v25 =	vadd.f32 $-8.295372120e-02, v25;
	v28 =	vmul.f32 v5, v13  }
0x199: {  	v15 =	vnsel vm6, $0xFF, v15;
	v14 =	vnsel vm4, $0x0, v14;
	[tilespmem:v7+s3+$0x0] =	vst.idx.add.f32.msk vm5, v27;
	v7 =	vmul.f32 v6, v18  }
0x19a: {  	v17 =	vmul.f32 v22, v17;
	v22 =	vshll.u32 v12, $0x8;
	[tilespmem:v21+s3+$0x0] =	vst.idx.add.f32.msk vm5, v28;
	v21 =	vmul.f32 v5, v18  }
0x19b: {  	v29 =	vshll.u32 v14, $0x8;
	v19 =	vmul.f32 v25, v19;
	v27 =	vshll.u32 v11, $0x8;
	[tilespmem:v26+s3+$0x0] =	vst.idx.add.f32.msk vm5, v7  }
0x19c: {  	v17 =	vadd.f32 $4.999447170e-01, v17;
	v8 =	vshll.u32 v8, $0x8;
	v26 =	vshll.u32 v15, $0x8;
	[tilespmem:v9+s3+$0x0] =	vst.idx.add.f32.msk vm5, v21  }
0x19d: {  	v7 =	vshll.u32 v10, $0x8;
	v9 =	vadd.f32 $4.999447170e-01, v19;
	v21 =	vadd.s32 v22, v14  }
.Ltmp10:
0x19e: {  	v10 =	vmul.f32 v17, v16;
	v17 =	vadd.s32 v27, v14;
	v19 =	vadd.s32 v22, v15;
	(pc) =	sbr.rel @p4 .LBB2_16-.Ltmp10, $4  }
0x19f: {  	s1 =	sadd.s32 $0x800, s1;
	v16 =	vadd.s32 v27, v15;
	v14 =	vadd.s32 v29, v23;
	v20 =	vmul.f32 v9, v20  }
0x1a0: {  	v15 =	vadd.s32 v29, v24;
	v25 =	vsub.f32 $5.000000000e-01, v10;
	v9 =	vadd.s32 v26, v23;
	v28 =	vld [tilespmem:s1+$0x400]  }
0x1a1: {  	v10 =	vadd.s32 v26, v24;
	v23 =	vadd.s32 v4, v12;
	v22 =	vsub.f32 $5.000000000e-01, v20;
	v29 =	vld [tilespmem:s1+$0x200]  }
0x1a2: {  	s0 =	sadd.s32 $0x4, s0;
	v26 =	vsub.f32 $1.000000000e+00, v25;
	v24 =	vmul.f32 v25, v1;
	v20 =	vmul.f32 v25, v3;
	v27 =	vld [tilespmem:s1+$0xFFFFFE00]  }
0x1a3: {  	v30 =	vsub.f32 $1.000000000e+00, v22;
	v31 =	vmul.f32 v22, v25;
	v32 =	vmul.f32 v18, v22  }
0x1a4: {  	vm5 =	vmmov vm3;
	v4 =	vadd.s32 v4, v11;
	v12 =	vadd.s32 v2, v12  }
0x1a5: {  	v33 =	vld [tilespmem:s1+$0x0];
	v2 =	vadd.s32 v2, v11;
	v1 =	vmul.f32 v26, v1;
	v3 =	vmul.f32 v26, v3  }
0x1a6: {  	vm3 =	vmmov vm0;
	v36 =	vmul.f32 v22, v26;
	v28 =	vmul.f32 $2.560000000e+02, v28  }
0x1a7: {  	vm4 =	vmmov vm0;
	v62 =	vmul.f32 v30, v25;
	v29 =	vmul.f32 $2.560000000e+02, v29  }
0x1a8: {  	v26 =	vmul.f32 v30, v26;
	v39 =	vmul.f32 v13, v30;
	v28 =	vadd.f32 $2.555000000e+02, v28  }
0x1a9: {  	p4 =	slt.s32 s31, s24;
	v18 =	vmul.f32 v18, v30;
	v27 =	vmul.f32 $2.560000000e+02, v27;
	v29 =	vadd.f32 $2.555000000e+02, v29  }
0x1aa: {  	vm3 =	vmneg @p4 vm3;
	v33 =	vmul.f32 $2.560000000e+02, v33;
	v34 =	vtrunc.f32 v28  }
0x1ab: {  	s0 =	sadd.s32 $0x1, s31;
	[tilespmem:v21+s3+$0x0] =	vst.idx.add.f32.msk vm1, v31;
	v27 =	vadd.f32 $2.555000000e+02, v27;
	v35 =	vtrunc.f32 v29;
	v34 =	vcvt.f32.s32 v34  }
0x1ac: {  	p4 =	slt.s32 s0, s24;
	v13 =	vmul.f32 v13, v22;
	[tilespmem:v19+s3+$0x0] =	vst.idx.add.f32.msk vm1, v62;
	v63 =	vadd.f32 $2.555000000e+02, v33;
	v35 =	vcvt.f32.s32 v35  }
0x1ad: {  	vm4 =	vmneg @p4 vm4;
	[tilespmem:v17+s3+$0x0] =	vst.idx.add.f32.msk vm1, v36;
	v42 =	vtrunc.f32 v27;
	v37 =	vcvt.s32.f32 v34  }
0x1ae: {  	[tilespmem:v16+s3+$0x0] =	vst.idx.add.f32.msk vm1, v26;
	vm1 =	vmmov vm0;
	v43 =	vtrunc.f32 v63;
	v33 =	vcvt.f32.s32 v42  }
0x1af: {  	v55 =	vadd.s32 $0xFFFFFF00, v34;
	v34 =	vadd.s32 $0xFFFFFF01, v34;
	v38 =	vcvt.s32.f32 v35  }
0x1b0: {  	v11 =	vcvt.f32.s32 v43;
	v54 =	vadd.s32 $0xFFFFFF00, v35;
	v56 =	vadd.s32 $0xFFFFFF01, v35  }
0x1b1: {  	vm13 =	vgt.s32 v55, $0x0;
	vm14 =	vlt.s32 v34, $0xFF;
	v28 =	vsub.f32 v28, v37  }
0x1b2: {  	v44 =	vcvt.s32.f32 v33;
	v40 =	vadd.s32 $0xFFFFFF00, v33;
	v47 =	vadd.s32 $0xFFFFFF01, v33  }
0x1b3: {  	vm12 =	vgt.s32 v54, $0x0;
	v57 =	vnsel vm13, $0x0, v55;
	vm9 =	vlt.s32 v56, $0xFF  }
0x1b4: {  	v58 =	vnsel vm14, $0xFF, v34;
	v29 =	vsub.f32 v29, v38;
	v41 =	vcvt.s32.f32 v11  }
0x1b5: {  	v43 =	vadd.s32 $0xFFFFFF00, v11;
	v11 =	vadd.s32 $0xFFFFFF01, v11;
	v28 =	vmul.f32 $3.141592740e+00, v28  }
0x1b6: {  	vm7 =	vgt.s32 v40, $0x0;
	v22 =	vsub.f32 v27, v44;
	v29 =	vmul.f32 $3.141592740e+00, v29  }
0x1b7: {  	vm8 =	vlt.s32 v47, $0xFF;
	v30 =	vsub.f32 v63, v41;
	v28 =	vadd.f32 $-1.570796370e+00, v28  }
0x1b8: {  	v31 =	vnsel vm12, $0x0, v54;
	v22 =	vmul.f32 $3.141592740e+00, v22;
	v29 =	vadd.f32 $-1.570796370e+00, v29  }
0x1b9: {  	v21 =	vnsel vm9, $0xFF, v56;
	v30 =	vmul.f32 $3.141592740e+00, v30;
	v45 =	vmul.f32 v28, v28  }
0x1ba: {  	vm6 =	vgt.s32 v43, $0x0;
	v22 =	vadd.f32 $-1.570796370e+00, v22;
	v46 =	vmul.f32 v29, v29  }
0x1bb: {  	v40 =	vnsel vm7, $0x0, v40;
	v30 =	vadd.f32 $-1.570796370e+00, v30;
	v48 =	vmul.f32 $3.785384590e-03, v45  }
0x1bc: {  	v27 =	vnsel vm8, $0xFF, v47;
	v51 =	vmul.f32 v22, v22;
	v42 =	vmul.f32 $3.785384590e-03, v46  }
0x1bd: {  	vm7 =	vmmov vm0;
	v52 =	vmul.f32 v30, v30;
	v33 =	vadd.f32 $-8.295372120e-02, v48  }
0x1be: {  	s6 =	sadd.s32 $0x3, s31;
	[tilespmem:v23+s3+$0x0] =	vst.idx.add.f32.msk vm2, v24;
	vm15 =	vlt.s32 v11, $0xFF;
	v53 =	vmul.f32 $3.785384590e-03, v51;
	v49 =	vadd.f32 $-8.295372120e-02, v42  }
0x1bf: {  	p4 =	slt.s32 s6, s24;
	[tilespmem:v4+s3+$0x0] =	vst.idx.add.f32.msk vm2, v1;
	v60 =	vshll.u32 v31, $0x8;
	v59 =	vmul.f32 $3.785384590e-03, v52;
	v33 =	vmul.f32 v33, v45  }
0x1c0: {  	[tilespmem:v12+s3+$0x0] =	vst.idx.add.f32.msk vm2, v20;
	vm7 =	vmneg @p4 vm7;
	v1 =	vadd.f32 $-8.295372120e-02, v53;
	v50 =	vmul.f32 v49, v46  }
0x1c1: {  	[tilespmem:v2+s3+$0x0] =	vst.idx.add.f32.msk vm2, v3;
	v2 =	vadd.s32 v60, v57;
	v62 =	vadd.f32 $-8.295372120e-02, v59;
	v33 =	vadd.f32 $4.999447170e-01, v33  }
0x1c2: {  	[tilespmem:v14+s3+$0x0] =	vst.idx.add.f32.msk vm5, v13;
	v4 =	vadd.s32 v60, v58;
	v1 =	vmul.f32 v1, v51;
	v37 =	vadd.f32 $4.999447170e-01, v50  }
0x1c3: {  	[tilespmem:v15+s3+$0x0] =	vst.idx.add.f32.msk vm5, v32;
	v38 =	vnsel vm6, $0x0, v43;
	v63 =	vmul.f32 v62, v52;
	v28 =	vmul.f32 v33, v28  }
0x1c4: {  	[tilespmem:v9+s3+$0x0] =	vst.idx.add.f32.msk vm5, v39;
	v39 =	vshll.u32 v40, $0x8;
	v1 =	vadd.f32 $4.999447170e-01, v1;
	v29 =	vmul.f32 v37, v29  }
0x1c5: {  	v43 =	vadd.s32 v39, v38;
	v35 =	vadd.f32 $4.999447170e-01, v63;
	v61 =	vsub.f32 $5.000000000e-01, v28  }
0x1c6: {  	v28 =	vshll.u32 v21, $0x8;
	v1 =	vmul.f32 v1, v22;
	v3 =	vsub.f32 $5.000000000e-01, v29  }
0x1c7: {  	v23 =	vadd.s32 v28, v57;
	v14 =	vmul.f32 v35, v30;
	v29 =	vsub.f32 $1.000000000e+00, v61  }
0x1c8: {  	v36 =	vadd.s32 v28, v58;
	v33 =	vsub.f32 $1.000000000e+00, v3;
	v34 =	vmul.f32 v61, v3  }
0x1c9: {  	[tilespmem:v10+s3+$0x0] =	vst.idx.add.f32.msk vm5, v18;
	v1 =	vsub.f32 $5.000000000e-01, v1;
	v44 =	vsub.f32 $5.000000000e-01, v14;
	v37 =	vmul.f32 v29, v3  }
0x1ca: {  	v41 =	vnsel vm15, $0xFF, v11;
	v42 =	vmul.f32 v61, v33;
	[tilespmem:v2+s3+$0x0] =	vst.idx.add.f32.msk vm7, v34;
	v2 =	vadd.s32 v8, v40  }
0x1cb: {  	v9 =	vadd.s32 v39, v41;
	v46 =	vshll.u32 v27, $0x8;
	v49 =	vmul.f32 v44, v1;
	[tilespmem:v4+s3+$0x0] =	vst.idx.add.f32.msk vm7, v37  }
0x1cc: {  	s31 =	sadd.s32 $0x2, s31;
	v47 =	vadd.s32 v46, v38;
	v45 =	vmul.f32 v29, v33;
	v48 =	vsub.f32 $1.000000000e+00, v44;
	[tilespmem:v23+s3+$0x0] =	vst.idx.add.f32.msk vm7, v42  }
0x1cd: {  	p4 =	slt.s32 s31, s24;
	v52 =	vadd.s32 v8, v27;
	v50 =	vsub.f32 $1.000000000e+00, v1;
	v51 =	vmul.f32 v1, v6;
	[tilespmem:v43+s3+$0x0] =	vst.idx.add.f32.msk vm4, v49  }
0x1ce: {  	vm1 =	vmneg @p4 vm1;
	v53 =	vadd.s32 v7, v40;
	v54 =	vmul.f32 v48, v1;
	[tilespmem:v36+s3+$0x0] =	vst.idx.add.f32.msk vm7, v45  }
0x1cf: {  	v55 =	vshll.u32 v38, $0x8;
	v56 =	vmul.f32 v44, v50;
	[tilespmem:v2+s3+$0x0] =	vst.idx.add.f32.msk vm3, v51;
	v2 =	vadd.s32 v7, v27  }
0x1d0: {  	vm1 =	vmmov vm1;
	v14 =	vadd.s32 v46, v41;
	v57 =	vmul.f32 v50, v6;
	[tilespmem:v9+s3+$0x0] =	vst.idx.add.f32.msk vm4, v54  }
0x1d1: {  	v58 =	vadd.s32 v55, v31;
	v1 =	vmul.f32 v1, v5;
	[tilespmem:v47+s3+$0x0] =	vst.idx.add.f32.msk vm4, v56  }
0x1d2: {  	v60 =	vadd.s32 v55, v21;
	v59 =	vshll.u32 v41, $0x8;
	v61 =	vmul.f32 v50, v5;
	[tilespmem:v52+s3+$0x0] =	vst.idx.add.f32.msk vm3, v57  }
0x1d3: {  	s30 =	sadd.s32 $0x1, s30;
	v62 =	vadd.s32 v59, v31;
	v4 =	vmul.f32 v48, v50;
	[tilespmem:v53+s3+$0x0] =	vst.idx.add.f32.msk vm3, v1  }
0x1d4: {  	p4 =	sne.s32 s30, $0x20;
	v1 =	vadd.s32 v59, v21;
	[tilespmem:v2+s3+$0x0] =	vst.idx.add.f32.msk vm3, v61;
	v2 =	vmul.f32 v3, v44  }
.Ltmp11:
0x1d5: {  	v63 =	vmul.f32 v33, v44;
	[tilespmem:v14+s3+$0x0] =	vst.idx.add.f32.msk vm4, v4;
	(pc) =	sbr.rel @p4 .LBB2_15-.Ltmp11, $4  }
0x1d6: {  	v3 =	vmul.f32 v3, v48;
	[tilespmem:v58+s3+$0x0] =	vst.idx.add.f32.msk vm1, v2  }
0x1d7: {  	v2 =	vmul.f32 v33, v48;
	[tilespmem:v60+s3+$0x0] =	vst.idx.add.f32.msk vm1, v63  }
0x1d8: {  	[tilespmem:v62+s3+$0x0] =	vst.idx.add.f32.msk vm1, v3  }
0x1d9: {  	s29 =	sadd.s32 $0x10, s29;
	s28 =	sadd.s32 $0x1, s28;
	[tilespmem:v1+s3+$0x0] =	vst.idx.add.f32.msk vm1, v2  }
0x1da: {  	s23 =	sadd.s32 $0x1, s23  }
0x1db: {  	p4 =	sne.s32 s23, s11  }
.Ltmp12:
0x1dc: {  	_ = 	snop;
	(pc) =	sbr.rel @p4 .LBB2_14-.Ltmp12, $4  }
.Ltmp13:
0x1dd: {  	_ = 	snop;
	(pc) =	sbr.rel @!p4 .LBB2_19-.Ltmp13, $4  }
0x1de: {  	_ = 	snop  }
0x1df: {  	_ = 	snop  }
0x1e0: {  	s20 =	sadd.s32 $0x8000, s20;
	s22 =	sadd.s32 $0x40, s22  }
0x1e1: {  	_ = 	snop  }
.LBB2_21:
0x1e2: {  	_ =	sfence.sel $0x180000  }
0x1e3: {  	[bflag:$0x0] =	sbarrier.arrive $0xFFFF  }
0x1e4: {  	_ =	strace $0x90000047  }
0x1e5: {  	s0 =	stileid.u32;
	[bflag:$0x2] =	sbarrier.arrive $0xFFFF  }
0x1e6: {  	p0 =	sne.s32 s0, $0x0;
	s0 =	rddreg [dreg:$0x1]  }
0x1e7: {  	s0 =	sadd.s32 @!p0 $0x100000, s0  }
0x1e8: {  	[sflag:s0] =	ssyncadd.tile.s32 @!p0 $0x1;
	_ =	shalt  }
.Lfunc_end2:
_tile_overlayer_lowered:
.L_overlay_start_2:
0x1e9: {  	(tag) =	ssettag $0x2  }
0x1ea: {  	s0 =	rddreg [dreg:$0x0];
	s2 =	stileid.u32  }
0x1eb: {  	s1 =	rddreg [dreg:$0x1];
	p0 =	sne.s32 s2, $0x0  }
0x1ec: {  	s3 =	rddreg [dreg:$0x2];
	[bflag:$0x3] =	sbarrier.arrive $0xFFFF;
	s2 =	simm.s32 @!p0 $0x1C01  }
0x1ed: {  	[timem:s3], [sflag:s2] =	dma.local @!p0 [hbm:s0], s1  }
0x1ee: {  	s0 =	simm.s32 @!p0 $0x1  }
0x1ef: {  	_ =	swait.ge @!p0 [sflag:s0], s1  }
0x1f0: {  	s1 =	ssub.s32 @!p0 $0x0, s1;
	[sflag:s0] =	ssyncset.done @!p0 $0x0  }
0x1f1: {  	[sflag:s0] =	ssyncadd.s32 @!p0 s1  }
0x1f2: {  	[bflag:$0x3] =	sbarrier.arrive $0xFFFF  }
0x1f3: {  	_ =	shalt  }

</sc_bundles>
